<compile_context>
chip_gen: v7x
topology: tpu7x:2x2x1
jax: 0.10.2.dev20260603
libtpu: 0.0.44.dev20260713+nightly
codegen_flags: <defaults>
</compile_context>

<pallas_src>
import functools

import jax
import jax.numpy as jnp
from jax import lax
from jax.experimental import pallas as pl
from jax.experimental.pallas import tpu as pltpu
from jax.experimental.pallas import tpu_sc as plsc

VOCAB = 1000000
DIM = 64
BATCH = 4096
SEQ = 200
NUM_CLASSES = 2

_NUM_WORKERS = 32
_ROWS_PER_W = BATCH // _NUM_WORKERS
_C0 = 96
_C1 = SEQ - _C0
_HALF = SEQ // 2


def _pool_kernel(x_hbm, embed_hbm, out_hbm, idx_v, buf_v, out_v, sem0, sem1):
    wid = lax.axis_index("s") * 2 + lax.axis_index("c")
    base = wid * _ROWS_PER_W

    pltpu.sync_copy(x_hbm.at[pl.ds(base, _ROWS_PER_W)], idx_v)

    sems = (sem0, sem1)

    def issue(r, slot):
        pltpu.async_copy(embed_hbm.at[idx_v.at[r, pl.ds(0, _C0)]],
                         buf_v.at[slot, pl.ds(0, _C0)], sems[slot])
        pltpu.async_copy(embed_hbm.at[idx_v.at[r, pl.ds(_C0, _C1)]],
                         buf_v.at[slot, pl.ds(_C0, _C1)], sems[slot])

    def drain(r, slot):
        pltpu.make_async_copy(embed_hbm.at[idx_v.at[r, pl.ds(0, _C0)]],
                              buf_v.at[slot, pl.ds(0, _C0)],
                              sems[slot]).wait()
        pltpu.make_async_copy(embed_hbm.at[idx_v.at[r, pl.ds(_C0, _C1)]],
                              buf_v.at[slot, pl.ds(_C0, _C1)],
                              sems[slot]).wait()

    def accumulate(r, slot):
        def acc_body(j, accs):
            a0, a1, a2, a3 = accs
            a0 = (a0 + buf_v[slot, j, pl.ds(0, 16)]
                  + buf_v[slot, j + _HALF, pl.ds(0, 16)])
            a1 = (a1 + buf_v[slot, j, pl.ds(16, 16)]
                  + buf_v[slot, j + _HALF, pl.ds(16, 16)])
            a2 = (a2 + buf_v[slot, j, pl.ds(32, 16)]
                  + buf_v[slot, j + _HALF, pl.ds(32, 16)])
            a3 = (a3 + buf_v[slot, j, pl.ds(48, 16)]
                  + buf_v[slot, j + _HALF, pl.ds(48, 16)])
            return (a0, a1, a2, a3)

        zero = jnp.zeros((16,), jnp.float32)
        a0, a1, a2, a3 = lax.fori_loop(0, _HALF, acc_body,
                                       (zero, zero, zero, zero), unroll=10)
        scale = jnp.float32(1.0 / SEQ)
        out_v[r, pl.ds(0, 16)] = a0 * scale
        out_v[r, pl.ds(16, 16)] = a1 * scale
        out_v[r, pl.ds(32, 16)] = a2 * scale
        out_v[r, pl.ds(48, 16)] = a3 * scale

    issue(0, 0)

    def pair_body(t, _):
        r0 = 2 * t
        issue(r0 + 1, 1)
        drain(r0, 0)
        accumulate(r0, 0)

        @pl.when(t < _ROWS_PER_W // 2 - 1)
        def _():
            issue(r0 + 2, 0)

        drain(r0 + 1, 1)
        accumulate(r0 + 1, 1)
        return 0

    lax.fori_loop(0, _ROWS_PER_W // 2, pair_body, 0)

    pltpu.sync_copy(out_v, out_hbm.at[pl.ds(base, _ROWS_PER_W)])


@functools.partial(
    pl.kernel,
    mesh=plsc.VectorSubcoreMesh(core_axis_name="c", subcore_axis_name="s"),
    out_type=jax.ShapeDtypeStruct((BATCH, DIM), jnp.float32),
    scratch_types=[
        pltpu.VMEM((_ROWS_PER_W, SEQ), jnp.int32),
        pltpu.VMEM((2, SEQ, DIM), jnp.float32),
        pltpu.VMEM((_ROWS_PER_W, DIM), jnp.float32),
        pltpu.SemaphoreType.DMA,
        pltpu.SemaphoreType.DMA,
    ],
    compiler_params=pltpu.CompilerParams(use_tc_tiling_on_sc=False),
)
def _pooled(x_hbm, embed_hbm, out_hbm, idx_v, buf_v, out_v, sem0, sem1):
    _pool_kernel(x_hbm, embed_hbm, out_hbm, idx_v, buf_v, out_v, sem0, sem1)


def _mm_kernel(p_ref, w_ref, b_ref, o_ref):
    o_ref[...] = jnp.dot(p_ref[...], w_ref[...],
                         preferred_element_type=jnp.float32) + b_ref[...]


def kernel(x, embed, fc1_w, fc1_b):
    x32 = x.astype(jnp.int32)
    pooled = _pooled(x32, embed)
    logits = pl.pallas_call(
        _mm_kernel,
        out_shape=jax.ShapeDtypeStruct((BATCH, NUM_CLASSES), jnp.float32),
    )(pooled, fc1_w.T, fc1_b.reshape(1, NUM_CLASSES))
    return logits

# --- scband reference (transcript-rebuilt; emitter-appended) ---
"""Pipeline reference for scband-fast-text-5669356833842 (READ-ONLY COPY).

The authoritative reference and input builder live on the scoring server;
editing this copy changes nothing except your own understanding.
"""

import jax, jax.numpy as jnp
import numpy as np

VOCAB = 1000000
DIM = 64
BATCH = 4096
SEQ = 200
NUM_CLASSES = 2

def setup_inputs(seed: int = 0) -> dict:
    key = jax.random.key(seed)
    k1, k2, k3 = jax.random.split(key, 3)
    x = jax.random.randint(k1, (BATCH, SEQ), 0, VOCAB, dtype=jnp.int64 if jax.config.jax_enable_x64 else jnp.int32)
    # embedding table initialized uniform(-0.25, 0.25) as in the torch 'rand' mode
    embed = jax.random.uniform(k2, (VOCAB, DIM), dtype=jnp.float32, minval=-0.25, maxval=0.25)
    # fc1: Linear(words_dim, target_class)
    bound = 1.0 / np.sqrt(DIM)
    fc1_w = jax.random.uniform(k3, (NUM_CLASSES, DIM), dtype=jnp.float32, minval=-bound, maxval=bound)
    fc1_b = jnp.zeros((NUM_CLASSES,), dtype=jnp.float32)
    return {"x": x, "embed": embed, "fc1_w": fc1_w, "fc1_b": fc1_b}

def reference(x, embed, fc1_w, fc1_b):
    # embedding lookup (gather)
    e = jnp.take(embed, x, axis=0)            # [B, L, D]
    # F.avg_pool2d(x, (L, 1)).squeeze(1) == mean over the sequence dim
    pooled = jnp.mean(e, axis=1)               # [B, D]
    logit = pooled @ fc1_w.T + fc1_b           # [B, C]
    return logit

if __name__ == "__main__":
    import jax
    _d = setup_inputs()
    print(jax.jit(kernel)(*tuple(_d.values())))

</pallas_src>

<mosaic_0001>
#map = affine_map<(d0, d1) -> (0, 0)>
module attributes {stable_mosaic.version = 14 : i64} {
  func.func @_pooled(%arg0: i32, %arg1: i32, %arg2: memref<4096x200xi32, #tpu.memory_space<hbm>>, %arg3: memref<1000000x64xf32, #tpu.memory_space<hbm>>, %arg4: memref<4096x64xf32, #tpu.memory_space<hbm>>, %arg5: memref<128x200xi32, #tpu.memory_space<vmem>>, %arg6: memref<2x200x64xf32, #tpu.memory_space<vmem>>, %arg7: memref<128x64xf32, #tpu.memory_space<vmem>>, %arg8: memref<!tpu.dma_semaphore, #tpu.memory_space<semaphore_mem>>, %arg9: memref<!tpu.dma_semaphore, #tpu.memory_space<semaphore_mem>>) attributes {dimension_semantics = [#tpu.dimension_semantics<core_parallel>, #tpu.dimension_semantics<subcore_parallel>], iteration_bounds = array<i64: 2, 16>, scalar_prefetch = 0 : i64, scratch_operands = 5 : i64, tpu.core_type = #tpu.core_type<sc_vector_subcore>, window_params = [{transform_indices = #map}, {transform_indices = #map}, {transform_indices = #map}]} {
    %mul3A = arith.constant 2 : i32
    %mul3A_0 = arith.muli %arg1, %mul3A : i32
    %add3A = arith.addi %mul3A_0, %arg0 : i32
    %mul3A_1 = arith.constant 128 : i32
    %mul3A_2 = arith.muli %add3A, %mul3A_1 : i32
    "tpu.region"() ({
      %run_scoped3A = tpu.sem_alloc : memref<!tpu.dma_semaphore, #tpu.memory_space<semaphore_mem>>
      %dma_start3A_32 = arith.constant 0 : i32
      %dma_start3A_33 = tpu.memref_slice %arg2[%mul3A_2, %dma_start3A_32] : memref<4096x200xi32, #tpu.memory_space<hbm>> -> memref<128x200xi32, #tpu.memory_space<hbm>>
      %dma_start3A_34 = arith.constant 0 : i32
      %dma_start3A_35 = tpu.memref_slice %arg2[%mul3A_2, %dma_start3A_34] : memref<4096x200xi32, #tpu.memory_space<hbm>> -> memref<128x200xi32, #tpu.memory_space<hbm>>
      tpu.enqueue_dma source(%dma_start3A_35 : memref<128x200xi32, #tpu.memory_space<hbm>>) target(%arg5 : memref<128x200xi32, #tpu.memory_space<vmem>>) target_semaphore(%run_scoped3A : memref<!tpu.dma_semaphore, #tpu.memory_space<semaphore_mem>>)
      %dma_wait3A = arith.constant 0 : i32
      %dma_wait3A_36 = tpu.memref_slice %arg2[%mul3A_2, %dma_wait3A] : memref<4096x200xi32, #tpu.memory_space<hbm>> -> memref<128x200xi32, #tpu.memory_space<hbm>>
      %dma_wait3A_37 = arith.constant 0 : i32
      %dma_wait3A_38 = tpu.memref_slice %arg2[%mul3A_2, %dma_wait3A_37] : memref<4096x200xi32, #tpu.memory_space<hbm>> -> memref<128x200xi32, #tpu.memory_space<hbm>>
      tpu.wait_dma2 semaphore(%run_scoped3A : memref<!tpu.dma_semaphore, #tpu.memory_space<semaphore_mem>>) src(%dma_wait3A_38 : memref<128x200xi32, #tpu.memory_space<hbm>>) dst(%arg5 : memref<128x200xi32, #tpu.memory_space<vmem>>)
      tpu.yield
    }) : () -> ()
    %dma_start3A = arith.constant 0 : i32
    %dma_start3A_3 = arith.constant 0 : i32
    %dma_start3A_4 = arith.constant 0 : i32
    %dma_start3A_5 = arith.constant 0 : i32
    %dma_start3A_6 = tpu.memref_slice %arg6[%dma_start3A_3, %dma_start3A_4, %dma_start3A_5] : memref<2x200x64xf32, #tpu.memory_space<vmem>> -> memref<1x96x64xf32, #tpu.memory_space<vmem>>
    %dma_start3A_7 = tpu.memref_squeeze %dma_start3A_6 : memref<1x96x64xf32, #tpu.memory_space<vmem>> -> memref<96x64xf32, #tpu.memory_space<vmem>>
    %dma_start3A_8 = arith.constant 0 : i32
    %dma_start3A_9 = tpu.memref_slice %arg5[%dma_start3A, %dma_start3A_8] : memref<128x200xi32, #tpu.memory_space<vmem>> -> memref<1x96xi32, #tpu.memory_space<vmem>>
    %dma_start3A_10 = tpu.memref_squeeze %dma_start3A_9 : memref<1x96xi32, #tpu.memory_space<vmem>> -> memref<96xi32, #tpu.memory_space<vmem>>
    %dma_start3A_11 = arith.constant 0 : i32
    %dma_start3A_12 = arith.constant 0 : i32
    %dma_start3A_13 = tpu.memref_slice %arg3[%dma_start3A_11, %dma_start3A_12] : memref<1000000x64xf32, #tpu.memory_space<hbm>> -> memref<1000000x64xf32, #tpu.memory_space<hbm>>
    tpu.enqueue_indirect_dma source(%dma_start3A_13 : memref<1000000x64xf32, #tpu.memory_space<hbm>>) target(%dma_start3A_7 : memref<96x64xf32, #tpu.memory_space<vmem>>) offsets(%dma_start3A_10 : memref<96xi32, #tpu.memory_space<vmem>>) semaphore(%arg8 : memref<!tpu.dma_semaphore, #tpu.memory_space<semaphore_mem>>)
    %dma_start3A_14 = arith.constant 0 : i32
    %dma_start3A_15 = arith.constant 0 : i32
    %dma_start3A_16 = arith.constant 96 : i32
    %dma_start3A_17 = arith.constant 0 : i32
    %dma_start3A_18 = tpu.memref_slice %arg6[%dma_start3A_15, %dma_start3A_16, %dma_start3A_17] : memref<2x200x64xf32, #tpu.memory_space<vmem>> -> memref<1x104x64xf32, #tpu.memory_space<vmem>>
    %dma_start3A_19 = tpu.memref_squeeze %dma_start3A_18 : memref<1x104x64xf32, #tpu.memory_space<vmem>> -> memref<104x64xf32, #tpu.memory_space<vmem>>
    %dma_start3A_20 = arith.constant 96 : i32
    %dma_start3A_21 = tpu.memref_slice %arg5[%dma_start3A_14, %dma_start3A_20] : memref<128x200xi32, #tpu.memory_space<vmem>> -> memref<1x104xi32, #tpu.memory_space<vmem>>
    %dma_start3A_22 = tpu.memref_squeeze %dma_start3A_21 : memref<1x104xi32, #tpu.memory_space<vmem>> -> memref<104xi32, #tpu.memory_space<vmem>>
    %dma_start3A_23 = arith.constant 0 : i32
    %dma_start3A_24 = arith.constant 0 : i32
    %dma_start3A_25 = tpu.memref_slice %arg3[%dma_start3A_23, %dma_start3A_24] : memref<1000000x64xf32, #tpu.memory_space<hbm>> -> memref<1000000x64xf32, #tpu.memory_space<hbm>>
    tpu.enqueue_indirect_dma source(%dma_start3A_25 : memref<1000000x64xf32, #tpu.memory_space<hbm>>) target(%dma_start3A_19 : memref<104x64xf32, #tpu.memory_space<vmem>>) offsets(%dma_start3A_22 : memref<104xi32, #tpu.memory_space<vmem>>) semaphore(%arg8 : memref<!tpu.dma_semaphore, #tpu.memory_space<semaphore_mem>>)
    %scan3A = arith.constant 0 : i32
    %scan3A_26 = arith.constant 0 : i32
    %scan3A_27 = arith.constant 64 : i32
    %scan3A_28 = arith.addi %scan3A_26, %scan3A_27 : i32
    %scan3A_29 = arith.constant 1 : i32
    %scan3A_30 = scf.for %scan3A_32 = %scan3A_26 to %scan3A_28 step %scan3A_29 iter_args(%scan3A_33 = %scan3A) -> (i32)  : i32 {
      %mul3A_34 = arith.constant 2 : i32
      %mul3A_35 = arith.muli %mul3A_34, %scan3A_32 : i32
      %add3A_36 = arith.constant 1 : i32
      %add3A_37 = arith.addi %mul3A_35, %add3A_36 : i32
      %dma_start3A_38 = arith.constant 1 : i32
      %dma_start3A_39 = arith.constant 0 : i32
      %dma_start3A_40 = arith.constant 0 : i32
      %dma_start3A_41 = tpu.memref_slice %arg6[%dma_start3A_38, %dma_start3A_39, %dma_start3A_40] : memref<2x200x64xf32, #tpu.memory_space<vmem>> -> memref<1x96x64xf32, #tpu.memory_space<vmem>>
      %dma_start3A_42 = tpu.memref_squeeze %dma_start3A_41 : memref<1x96x64xf32, #tpu.memory_space<vmem>> -> memref<96x64xf32, #tpu.memory_space<vmem>>
      %dma_start3A_43 = arith.constant 0 : i32
      %dma_start3A_44 = tpu.memref_slice %arg5[%add3A_37, %dma_start3A_43] : memref<128x200xi32, #tpu.memory_space<vmem>> -> memref<1x96xi32, #tpu.memory_space<vmem>>
      %dma_start3A_45 = tpu.memref_squeeze %dma_start3A_44 : memref<1x96xi32, #tpu.memory_space<vmem>> -> memref<96xi32, #tpu.memory_space<vmem>>
      %dma_start3A_46 = arith.constant 0 : i32
      %dma_start3A_47 = arith.constant 0 : i32
      %dma_start3A_48 = tpu.memref_slice %arg3[%dma_start3A_46, %dma_start3A_47] : memref<1000000x64xf32, #tpu.memory_space<hbm>> -> memref<1000000x64xf32, #tpu.memory_space<hbm>>
      tpu.enqueue_indirect_dma source(%dma_start3A_48 : memref<1000000x64xf32, #tpu.memory_space<hbm>>) target(%dma_start3A_42 : memref<96x64xf32, #tpu.memory_space<vmem>>) offsets(%dma_start3A_45 : memref<96xi32, #tpu.memory_space<vmem>>) semaphore(%arg9 : memref<!tpu.dma_semaphore, #tpu.memory_space<semaphore_mem>>)
      %dma_start3A_49 = arith.constant 1 : i32
      %dma_start3A_50 = arith.constant 96 : i32
      %dma_start3A_51 = arith.constant 0 : i32
      %dma_start3A_52 = tpu.memref_slice %arg6[%dma_start3A_49, %dma_start3A_50, %dma_start3A_51] : memref<2x200x64xf32, #tpu.memory_space<vmem>> -> memref<1x104x64xf32, #tpu.memory_space<vmem>>
      %dma_start3A_53 = tpu.memref_squeeze %dma_start3A_52 : memref<1x104x64xf32, #tpu.memory_space<vmem>> -> memref<104x64xf32, #tpu.memory_space<vmem>>
      %dma_start3A_54 = arith.constant 96 : i32
      %dma_start3A_55 = tpu.memref_slice %arg5[%add3A_37, %dma_start3A_54] : memref<128x200xi32, #tpu.memory_space<vmem>> -> memref<1x104xi32, #tpu.memory_space<vmem>>
      %dma_start3A_56 = tpu.memref_squeeze %dma_start3A_55 : memref<1x104xi32, #tpu.memory_space<vmem>> -> memref<104xi32, #tpu.memory_space<vmem>>
      %dma_start3A_57 = arith.constant 0 : i32
      %dma_start3A_58 = arith.constant 0 : i32
      %dma_start3A_59 = tpu.memref_slice %arg3[%dma_start3A_57, %dma_start3A_58] : memref<1000000x64xf32, #tpu.memory_space<hbm>> -> memref<1000000x64xf32, #tpu.memory_space<hbm>>
      tpu.enqueue_indirect_dma source(%dma_start3A_59 : memref<1000000x64xf32, #tpu.memory_space<hbm>>) target(%dma_start3A_53 : memref<104x64xf32, #tpu.memory_space<vmem>>) offsets(%dma_start3A_56 : memref<104xi32, #tpu.memory_space<vmem>>) semaphore(%arg9 : memref<!tpu.dma_semaphore, #tpu.memory_space<semaphore_mem>>)
      %dma_wait3A = arith.constant 0 : i32
      %dma_wait3A_60 = arith.constant 0 : i32
      %dma_wait3A_61 = arith.constant 0 : i32
      %dma_wait3A_62 = tpu.memref_slice %arg6[%dma_wait3A, %dma_wait3A_60, %dma_wait3A_61] : memref<2x200x64xf32, #tpu.memory_space<vmem>> -> memref<1x96x64xf32, #tpu.memory_space<vmem>>
      %dma_wait3A_63 = tpu.memref_squeeze %dma_wait3A_62 : memref<1x96x64xf32, #tpu.memory_space<vmem>> -> memref<96x64xf32, #tpu.memory_space<vmem>>
      %dma_wait3A_64 = arith.constant 0 : i32
      %dma_wait3A_65 = tpu.memref_slice %arg5[%mul3A_35, %dma_wait3A_64] : memref<128x200xi32, #tpu.memory_space<vmem>> -> memref<1x96xi32, #tpu.memory_space<vmem>>
      %dma_wait3A_66 = tpu.memref_squeeze %dma_wait3A_65 : memref<1x96xi32, #tpu.memory_space<vmem>> -> memref<96xi32, #tpu.memory_space<vmem>>
      %dma_wait3A_67 = arith.constant 0 : i32
      %dma_wait3A_68 = arith.constant 0 : i32
      %dma_wait3A_69 = tpu.memref_slice %arg3[%dma_wait3A_67, %dma_wait3A_68] : memref<1000000x64xf32, #tpu.memory_space<hbm>> -> memref<1000000x64xf32, #tpu.memory_space<hbm>>
      tpu.wait_indirect_dma semaphore(%arg8 : memref<!tpu.dma_semaphore, #tpu.memory_space<semaphore_mem>>) src(%dma_wait3A_69 : memref<1000000x64xf32, #tpu.memory_space<hbm>>) dst(%dma_wait3A_63 : memref<96x64xf32, #tpu.memory_space<vmem>>)
      %dma_wait3A_70 = arith.constant 0 : i32
      %dma_wait3A_71 = arith.constant 96 : i32
      %dma_wait3A_72 = arith.constant 0 : i32
      %dma_wait3A_73 = tpu.memref_slice %arg6[%dma_wait3A_70, %dma_wait3A_71, %dma_wait3A_72] : memref<2x200x64xf32, #tpu.memory_space<vmem>> -> memref<1x104x64xf32, #tpu.memory_space<vmem>>
      %dma_wait3A_74 = tpu.memref_squeeze %dma_wait3A_73 : memref<1x104x64xf32, #tpu.memory_space<vmem>> -> memref<104x64xf32, #tpu.memory_space<vmem>>
      %dma_wait3A_75 = arith.constant 96 : i32
      %dma_wait3A_76 = tpu.memref_slice %arg5[%mul3A_35, %dma_wait3A_75] : memref<128x200xi32, #tpu.memory_space<vmem>> -> memref<1x104xi32, #tpu.memory_space<vmem>>
      %dma_wait3A_77 = tpu.memref_squeeze %dma_wait3A_76 : memref<1x104xi32, #tpu.memory_space<vmem>> -> memref<104xi32, #tpu.memory_space<vmem>>
      %dma_wait3A_78 = arith.constant 0 : i32
      %dma_wait3A_79 = arith.constant 0 : i32
      %dma_wait3A_80 = tpu.memref_slice %arg3[%dma_wait3A_78, %dma_wait3A_79] : memref<1000000x64xf32, #tpu.memory_space<hbm>> -> memref<1000000x64xf32, #tpu.memory_space<hbm>>
      tpu.wait_indirect_dma semaphore(%arg8 : memref<!tpu.dma_semaphore, #tpu.memory_space<semaphore_mem>>) src(%dma_wait3A_80 : memref<1000000x64xf32, #tpu.memory_space<hbm>>) dst(%dma_wait3A_74 : memref<104x64xf32, #tpu.memory_space<vmem>>)
      %broadcast_in_dim3A = arith.constant 0.000000e+00 : f32
      %broadcast_in_dim3A_81 = vector.broadcast %broadcast_in_dim3A : f32 to vector<16xf32>
      %scan3A_82 = arith.constant 0 : i32
      %scan3A_83 = arith.constant 100 : i32
      %scan3A_84 = arith.addi %scan3A_82, %scan3A_83 : i32
      %scan3A_85 = arith.constant 10 : i32
      %scan3A_86:4 = scf.for %scan3A_188 = %scan3A_82 to %scan3A_84 step %scan3A_85 iter_args(%scan3A_189 = %broadcast_in_dim3A_81, %scan3A_190 = %broadcast_in_dim3A_81, %scan3A_191 = %broadcast_in_dim3A_81, %scan3A_192 = %broadcast_in_dim3A_81) -> (vector<16xf32>, vector<16xf32>, vector<16xf32>, vector<16xf32>)  : i32 {
        %get3A = arith.constant 0 : i32
        %get3A_193 = arith.index_cast %get3A : i32 to index
        %get3A_194 = arith.index_cast %scan3A_188 : i32 to index
        %get3A_195 = arith.constant 0 : index
        %get3A_196 = tpu.vector_load %arg6[%get3A_193, %get3A_194, %get3A_195] {strides = array<i32>} : memref<2x200x64xf32, #tpu.memory_space<vmem>>, vector<1x1x16xf32>,
        %get3A_197 = vector.shape_cast %get3A_196 : vector<1x1x16xf32> to vector<16xf32>
        %add3A_198 = arith.addf %scan3A_189, %get3A_197 : vector<16xf32>
        %add3A_199 = arith.constant 100 : i32
        %add3A_200 = arith.addi %scan3A_188, %add3A_199 : i32
        %get3A_201 = arith.constant 0 : i32
        %get3A_202 = arith.index_cast %get3A_201 : i32 to index
        %get3A_203 = arith.index_cast %add3A_200 : i32 to index
        %get3A_204 = arith.constant 0 : index
        %get3A_205 = tpu.vector_load %arg6[%get3A_202, %get3A_203, %get3A_204] {strides = array<i32>} : memref<2x200x64xf32, #tpu.memory_space<vmem>>, vector<1x1x16xf32>,
        %get3A_206 = vector.shape_cast %get3A_205 : vector<1x1x16xf32> to vector<16xf32>
        %add3A_207 = arith.addf %add3A_198, %get3A_206 : vector<16xf32>
        %get3A_208 = arith.constant 0 : i32
        %get3A_209 = arith.index_cast %get3A_208 : i32 to index
        %get3A_210 = arith.index_cast %scan3A_188 : i32 to index
        %get3A_211 = arith.constant 16 : index
        %get3A_212 = tpu.vector_load %arg6[%get3A_209, %get3A_210, %get3A_211] {strides = array<i32>} : memref<2x200x64xf32, #tpu.memory_space<vmem>>, vector<1x1x16xf32>,
        %get3A_213 = vector.shape_cast %get3A_212 : vector<1x1x16xf32> to vector<16xf32>
        %add3A_214 = arith.addf %scan3A_190, %get3A_213 : vector<16xf32>
        %add3A_215 = arith.constant 100 : i32
        %add3A_216 = arith.addi %scan3A_188, %add3A_215 : i32
        %get3A_217 = arith.constant 0 : i32
        %get3A_218 = arith.index_cast %get3A_217 : i32 to index
        %get3A_219 = arith.index_cast %add3A_216 : i32 to index
        %get3A_220 = arith.constant 16 : index
        %get3A_221 = tpu.vector_load %arg6[%get3A_218, %get3A_219, %get3A_220] {strides = array<i32>} : memref<2x200x64xf32, #tpu.memory_space<vmem>>, vector<1x1x16xf32>,
        %get3A_222 = vector.shape_cast %get3A_221 : vector<1x1x16xf32> to vector<16xf32>
        %add3A_223 = arith.addf %add3A_214, %get3A_222 : vector<16xf32>
        %get3A_224 = arith.constant 0 : i32
        %get3A_225 = arith.index_cast %get3A_224 : i32 to index
        %get3A_226 = arith.index_cast %scan3A_188 : i32 to index
        %get3A_227 = arith.constant 32 : index
        %get3A_228 = tpu.vector_load %arg6[%get3A_225, %get3A_226, %get3A_227] {strides = array<i32>} : memref<2x200x64xf32, #tpu.memory_space<vmem>>, vector<1x1x16xf32>,
        %get3A_229 = vector.shape_cast %get3A_228 : vector<1x1x16xf32> to vector<16xf32>
        %add3A_230 = arith.addf %scan3A_191, %get3A_229 : vector<16xf32>
        %add3A_231 = arith.constant 100 : i32
        %add3A_232 = arith.addi %scan3A_188, %add3A_231 : i32
        %get3A_233 = arith.constant 0 : i32
        %get3A_234 = arith.index_cast %get3A_233 : i32 to index
        %get3A_235 = arith.index_cast %add3A_232 : i32 to index
        %get3A_236 = arith.constant 32 : index
        %get3A_237 = tpu.vector_load %arg6[%get3A_234, %get3A_235, %get3A_236] {strides = array<i32>} : memref<2x200x64xf32, #tpu.memory_space<vmem>>, vector<1x1x16xf32>,
        %get3A_238 = vector.shape_cast %get3A_237 : vector<1x1x16xf32> to vector<16xf32>
        %add3A_239 = arith.addf %add3A_230, %get3A_238 : vector<16xf32>
        %get3A_240 = arith.constant 0 : i32
        %get3A_241 = arith.index_cast %get3A_240 : i32 to index
        %get3A_242 = arith.index_cast %scan3A_188 : i32 to index
        %get3A_243 = arith.constant 48 : index
        %get3A_244 = tpu.vector_load %arg6[%get3A_241, %get3A_242, %get3A_243] {strides = array<i32>} : memref<2x200x64xf32, #tpu.memory_space<vmem>>, vector<1x1x16xf32>,
        %get3A_245 = vector.shape_cast %get3A_244 : vector<1x1x16xf32> to vector<16xf32>
        %add3A_246 = arith.addf %scan3A_192, %get3A_245 : vector<16xf32>
        %add3A_247 = arith.constant 100 : i32
        %add3A_248 = arith.addi %scan3A_188, %add3A_247 : i32
        %get3A_249 = arith.constant 0 : i32
        %get3A_250 = arith.index_cast %get3A_249 : i32 to index
        %get3A_251 = arith.index_cast %add3A_248 : i32 to index
        %get3A_252 = arith.constant 48 : index
        %get3A_253 = tpu.vector_load %arg6[%get3A_250, %get3A_251, %get3A_252] {strides = array<i32>} : memref<2x200x64xf32, #tpu.memory_space<vmem>>, vector<1x1x16xf32>,
        %get3A_254 = vector.shape_cast %get3A_253 : vector<1x1x16xf32> to vector<16xf32>
        %add3A_255 = arith.addf %add3A_246, %get3A_254 : vector<16xf32>
        %scan3A_256 = arith.constant 1 : i32
        %scan3A_257 = arith.addi %scan3A_188, %scan3A_256 : i32
        %get3A_258 = arith.constant 0 : i32
        %get3A_259 = arith.index_cast %get3A_258 : i32 to index
        %get3A_260 = arith.index_cast %scan3A_257 : i32 to index
        %get3A_261 = arith.constant 0 : index
        %get3A_262 = tpu.vector_load %arg6[%get3A_259, %get3A_260, %get3A_261] {strides = array<i32>} : memref<2x200x64xf32, #tpu.memory_space<vmem>>, vector<1x1x16xf32>,
        %get3A_263 = vector.shape_cast %get3A_262 : vector<1x1x16xf32> to vector<16xf32>
        %add3A_264 = arith.addf %add3A_207, %get3A_263 : vector<16xf32>
        %add3A_265 = arith.constant 100 : i32
        %add3A_266 = arith.addi %scan3A_257, %add3A_265 : i32
        %get3A_267 = arith.constant 0 : i32
        %get3A_268 = arith.index_cast %get3A_267 : i32 to index
        %get3A_269 = arith.index_cast %add3A_266 : i32 to index
        %get3A_270 = arith.constant 0 : index
        %get3A_271 = tpu.vector_load %arg6[%get3A_268, %get3A_269, %get3A_270] {strides = array<i32>} : memref<2x200x64xf32, #tpu.memory_space<vmem>>, vector<1x1x16xf32>,
        %get3A_272 = vector.shape_cast %get3A_271 : vector<1x1x16xf32> to vector<16xf32>
        %add3A_273 = arith.addf %add3A_264, %get3A_272 : vector<16xf32>
        %get3A_274 = arith.constant 0 : i32
        %get3A_275 = arith.index_cast %get3A_274 : i32 to index
        %get3A_276 = arith.index_cast %scan3A_257 : i32 to index
        %get3A_277 = arith.constant 16 : index
        %get3A_278 = tpu.vector_load %arg6[%get3A_275, %get3A_276, %get3A_277] {strides = array<i32>} : memref<2x200x64xf32, #tpu.memory_space<vmem>>, vector<1x1x16xf32>,
        %get3A_279 = vector.shape_cast %get3A_278 : vector<1x1x16xf32> to vector<16xf32>
        %add3A_280 = arith.addf %add3A_223, %get3A_279 : vector<16xf32>
        %add3A_281 = arith.constant 100 : i32
        %add3A_282 = arith.addi %scan3A_257, %add3A_281 : i32
        %get3A_283 = arith.constant 0 : i32
        %get3A_284 = arith.index_cast %get3A_283 : i32 to index
        %get3A_285 = arith.index_cast %add3A_282 : i32 to index
        %get3A_286 = arith.constant 16 : index
        %get3A_287 = tpu.vector_load %arg6[%get3A_284, %get3A_285, %get3A_286] {strides = array<i32>} : memref<2x200x64xf32, #tpu.memory_space<vmem>>, vector<1x1x16xf32>,
        %get3A_288 = vector.shape_cast %get3A_287 : vector<1x1x16xf32> to vector<16xf32>
        %add3A_289 = arith.addf %add3A_280, %get3A_288 : vector<16xf32>
        %get3A_290 = arith.constant 0 : i32
        %get3A_291 = arith.index_cast %get3A_290 : i32 to index
        %get3A_292 = arith.index_cast %scan3A_257 : i32 to index
        %get3A_293 = arith.constant 32 : index
        %get3A_294 = tpu.vector_load %arg6[%get3A_291, %get3A_292, %get3A_293] {strides = array<i32>} : memref<2x200x64xf32, #tpu.memory_space<vmem>>, vector<1x1x16xf32>,
        %get3A_295 = vector.shape_cast %get3A_294 : vector<1x1x16xf32> to vector<16xf32>
        %add3A_296 = arith.addf %add3A_239, %get3A_295 : vector<16xf32>
        %add3A_297 = arith.constant 100 : i32
        %add3A_298 = arith.addi %scan3A_257, %add3A_297 : i32
        %get3A_299 = arith.constant 0 : i32
        %get3A_300 = arith.index_cast %get3A_299 : i32 to index
        %get3A_301 = arith.index_cast %add3A_298 : i32 to index
        %get3A_302 = arith.constant 32 : index
        %get3A_303 = tpu.vector_load %arg6[%get3A_300, %get3A_301, %get3A_302] {strides = array<i32>} : memref<2x200x64xf32, #tpu.memory_space<vmem>>, vector<1x1x16xf32>,
        %get3A_304 = vector.shape_cast %get3A_303 : vector<1x1x16xf32> to vector<16xf32>
        %add3A_305 = arith.addf %add3A_296, %get3A_304 : vector<16xf32>
        %get3A_306 = arith.constant 0 : i32
        %get3A_307 = arith.index_cast %get3A_306 : i32 to index
        %get3A_308 = arith.index_cast %scan3A_257 : i32 to index
        %get3A_309 = arith.constant 48 : index
        %get3A_310 = tpu.vector_load %arg6[%get3A_307, %get3A_308, %get3A_309] {strides = array<i32>} : memref<2x200x64xf32, #tpu.memory_space<vmem>>, vector<1x1x16xf32>,
        %get3A_311 = vector.shape_cast %get3A_310 : vector<1x1x16xf32> to vector<16xf32>
        %add3A_312 = arith.addf %add3A_255, %get3A_311 : vector<16xf32>
        %add3A_313 = arith.constant 100 : i32
        %add3A_314 = arith.addi %scan3A_257, %add3A_313 : i32
        %get3A_315 = arith.constant 0 : i32
        %get3A_316 = arith.index_cast %get3A_315 : i32 to index
        %get3A_317 = arith.index_cast %add3A_314 : i32 to index
        %get3A_318 = arith.constant 48 : index
        %get3A_319 = tpu.vector_load %arg6[%get3A_316, %get3A_317, %get3A_318] {strides = array<i32>} : memref<2x200x64xf32, #tpu.memory_space<vmem>>, vector<1x1x16xf32>,
        %get3A_320 = vector.shape_cast %get3A_319 : vector<1x1x16xf32> to vector<16xf32>
        %add3A_321 = arith.addf %add3A_312, %get3A_320 : vector<16xf32>
        %scan3A_322 = arith.constant 2 : i32
        %scan3A_323 = arith.addi %scan3A_188, %scan3A_322 : i32
        %get3A_324 = arith.constant 0 : i32
        %get3A_325 = arith.index_cast %get3A_324 : i32 to index
        %get3A_326 = arith.index_cast %scan3A_323 : i32 to index
        %get3A_327 = arith.constant 0 : index
        %get3A_328 = tpu.vector_load %arg6[%get3A_325, %get3A_326, %get3A_327] {strides = array<i32>} : memref<2x200x64xf32, #tpu.memory_space<vmem>>, vector<1x1x16xf32>,
        %get3A_329 = vector.shape_cast %get3A_328 : vector<1x1x16xf32> to vector<16xf32>
        %add3A_330 = arith.addf %add3A_273, %get3A_329 : vector<16xf32>
        %add3A_331 = arith.constant 100 : i32
        %add3A_332 = arith.addi %scan3A_323, %add3A_331 : i32
        %get3A_333 = arith.constant 0 : i32
        %get3A_334 = arith.index_cast %get3A_333 : i32 to index
        %get3A_335 = arith.index_cast %add3A_332 : i32 to index
        %get3A_336 = arith.constant 0 : index
        %get3A_337 = tpu.vector_load %arg6[%get3A_334, %get3A_335, %get3A_336] {strides = array<i32>} : memref<2x200x64xf32, #tpu.memory_space<vmem>>, vector<1x1x16xf32>,
        %get3A_338 = vector.shape_cast %get3A_337 : vector<1x1x16xf32> to vector<16xf32>
        %add3A_339 = arith.addf %add3A_330, %get3A_338 : vector<16xf32>
        %get3A_340 = arith.constant 0 : i32
        %get3A_341 = arith.index_cast %get3A_340 : i32 to index
        %get3A_342 = arith.index_cast %scan3A_323 : i32 to index
        %get3A_343 = arith.constant 16 : index
        %get3A_344 = tpu.vector_load %arg6[%get3A_341, %get3A_342, %get3A_343] {strides = array<i32>} : memref<2x200x64xf32, #tpu.memory_space<vmem>>, vector<1x1x16xf32>,
        %get3A_345 = vector.shape_cast %get3A_344 : vector<1x1x16xf32> to vector<16xf32>
        %add3A_346 = arith.addf %add3A_289, %get3A_345 : vector<16xf32>
        %add3A_347 = arith.constant 100 : i32
        %add3A_348 = arith.addi %scan3A_323, %add3A_347 : i32
        %get3A_349 = arith.constant 0 : i32
        %get3A_350 = arith.index_cast %get3A_349 : i32 to index
        %get3A_351 = arith.index_cast %add3A_348 : i32 to index
        %get3A_352 = arith.constant 16 : index
        %get3A_353 = tpu.vector_load %arg6[%get3A_350, %get3A_351, %get3A_352] {strides = array<i32>} : memref<2x200x64xf32, #tpu.memory_space<vmem>>, vector<1x1x16xf32>,
        %get3A_354 = vector.shape_cast %get3A_353 : vector<1x1x16xf32> to vector<16xf32>
        %add3A_355 = arith.addf %add3A_346, %get3A_354 : vector<16xf32>
        %get3A_356 = arith.constant 0 : i32
        %get3A_357 = arith.index_cast %get3A_356 : i32 to index
        %get3A_358 = arith.index_cast %scan3A_323 : i32 to index
        %get3A_359 = arith.constant 32 : index
        %get3A_360 = tpu.vector_load %arg6[%get3A_357, %get3A_358, %get3A_359] {strides = array<i32>} : memref<2x200x64xf32, #tpu.memory_space<vmem>>, vector<1x1x16xf32>,
        %get3A_361 = vector.shape_cast %get3A_360 : vector<1x1x16xf32> to vector<16xf32>
        %add3A_362 = arith.addf %add3A_305, %get3A_361 : vector<16xf32>
        %add3A_363 = arith.constant 100 : i32
        %add3A_364 = arith.addi %scan3A_323, %add3A_363 : i32
        %get3A_365 = arith.constant 0 : i32
        %get3A_366 = arith.index_cast %get3A_365 : i32 to index
        %get3A_367 = arith.index_cast %add3A_364 : i32 to index
        %get3A_368 = arith.constant 32 : index
        %get3A_369 = tpu.vector_load %arg6[%get3A_366, %get3A_367, %get3A_368] {strides = array<i32>} : memref<2x200x64xf32, #tpu.memory_space<vmem>>, vector<1x1x16xf32>,
        %get3A_370 = vector.shape_cast %get3A_369 : vector<1x1x16xf32> to vector<16xf32>
        %add3A_371 = arith.addf %add3A_362, %get3A_370 : vector<16xf32>
        %get3A_372 = arith.constant 0 : i32
        %get3A_373 = arith.index_cast %get3A_372 : i32 to index
        %get3A_374 = arith.index_cast %scan3A_323 : i32 to index
        %get3A_375 = arith.constant 48 : index
        %get3A_376 = tpu.vector_load %arg6[%get3A_373, %get3A_374, %get3A_375] {strides = array<i32>} : memref<2x200x64xf32, #tpu.memory_space<vmem>>, vector<1x1x16xf32>,
        %get3A_377 = vector.shape_cast %get3A_376 : vector<1x1x16xf32> to vector<16xf32>
        %add3A_378 = arith.addf %add3A_321, %get3A_377 : vector<16xf32>
        %add3A_379 = arith.constant 100 : i32
        %add3A_380 = arith.addi %scan3A_323, %add3A_379 : i32
        %get3A_381 = arith.constant 0 : i32
        %get3A_382 = arith.index_cast %get3A_381 : i32 to index
        %get3A_383 = arith.index_cast %add3A_380 : i32 to index
        %get3A_384 = arith.constant 48 : index
        %get3A_385 = tpu.vector_load %arg6[%get3A_382, %get3A_383, %get3A_384] {strides = array<i32>} : memref<2x200x64xf32, #tpu.memory_space<vmem>>, vector<1x1x16xf32>,
        %get3A_386 = vector.shape_cast %get3A_385 : vector<1x1x16xf32> to vector<16xf32>
        %add3A_387 = arith.addf %add3A_378, %get3A_386 : vector<16xf32>
        %scan3A_388 = arith.constant 3 : i32
        %scan3A_389 = arith.addi %scan3A_188, %scan3A_388 : i32
        %get3A_390 = arith.constant 0 : i32
        %get3A_391 = arith.index_cast %get3A_390 : i32 to index
        %get3A_392 = arith.index_cast %scan3A_389 : i32 to index
        %get3A_393 = arith.constant 0 : index
        %get3A_394 = tpu.vector_load %arg6[%get3A_391, %get3A_392, %get3A_393] {strides = array<i32>} : memref<2x200x64xf32, #tpu.memory_space<vmem>>, vector<1x1x16xf32>,
        %get3A_395 = vector.shape_cast %get3A_394 : vector<1x1x16xf32> to vector<16xf32>
        %add3A_396 = arith.addf %add3A_339, %get3A_395 : vector<16xf32>
        %add3A_397 = arith.constant 100 : i32
        %add3A_398 = arith.addi %scan3A_389, %add3A_397 : i32
        %get3A_399 = arith.constant 0 : i32
        %get3A_400 = arith.index_cast %get3A_399 : i32 to index
        %get3A_401 = arith.index_cast %add3A_398 : i32 to index
        %get3A_402 = arith.constant 0 : index
        %get3A_403 = tpu.vector_load %arg6[%get3A_400, %get3A_401, %get3A_402] {strides = array<i32>} : memref<2x200x64xf32, #tpu.memory_space<vmem>>, vector<1x1x16xf32>,
        %get3A_404 = vector.shape_cast %get3A_403 : vector<1x1x16xf32> to vector<16xf32>
        %add3A_405 = arith.addf %add3A_396, %get3A_404 : vector<16xf32>
        %get3A_406 = arith.constant 0 : i32
        %get3A_407 = arith.index_cast %get3A_406 : i32 to index
        %get3A_408 = arith.index_cast %scan3A_389 : i32 to index
        %get3A_409 = arith.constant 16 : index
        %get3A_410 = tpu.vector_load %arg6[%get3A_407, %get3A_408, %get3A_409] {strides = array<i32>} : memref<2x200x64xf32, #tpu.memory_space<vmem>>, vector<1x1x16xf32>,
        %get3A_411 = vector.shape_cast %get3A_410 : vector<1x1x16xf32> to vector<16xf32>
        %add3A_412 = arith.addf %add3A_355, %get3A_411 : vector<16xf32>
        %add3A_413 = arith.constant 100 : i32
        %add3A_414 = arith.addi %scan3A_389, %add3A_413 : i32
        %get3A_415 = arith.constant 0 : i32
        %get3A_416 = arith.index_cast %get3A_415 : i32 to index
        %get3A_417 = arith.index_cast %add3A_414 : i32 to index
        %get3A_418 = arith.constant 16 : index
        %get3A_419 = tpu.vector_load %arg6[%get3A_416, %get3A_417, %get3A_418] {strides = array<i32>} : memref<2x200x64xf32, #tpu.memory_space<vmem>>, vector<1x1x16xf32>,
        %get3A_420 = vector.shape_cast %get3A_419 : vector<1x1x16xf32> to vector<16xf32>
        %add3A_421 = arith.addf %add3A_412, %get3A_420 : vector<16xf32>
        %get3A_422 = arith.constant 0 : i32
        %get3A_423 = arith.index_cast %get3A_422 : i32 to index
        %get3A_424 = arith.index_cast %scan3A_389 : i32 to index
        %get3A_425 = arith.constant 32 : index
        %get3A_426 = tpu.vector_load %arg6[%get3A_423, %get3A_424, %get3A_425] {strides = array<i32>} : memref<2x200x64xf32, #tpu.memory_space<vmem>>, vector<1x1x16xf32>,
        %get3A_427 = vector.shape_cast %get3A_426 : vector<1x1x16xf32> to vector<16xf32>
        %add3A_428 = arith.addf %add3A_371, %get3A_427 : vector<16xf32>
        %add3A_429 = arith.constant 100 : i32
        %add3A_430 = arith.addi %scan3A_389, %add3A_429 : i32
        %get3A_431 = arith.constant 0 : i32
        %get3A_432 = arith.index_cast %get3A_431 : i32 to index
        %get3A_433 = arith.index_cast %add3A_430 : i32 to index
        %get3A_434 = arith.constant 32 : index
        %get3A_435 = tpu.vector_load %arg6[%get3A_432, %get3A_433, %get3A_434] {strides = array<i32>} : memref<2x200x64xf32, #tpu.memory_space<vmem>>, vector<1x1x16xf32>,
        %get3A_436 = vector.shape_cast %get3A_435 : vector<1x1x16xf32> to vector<16xf32>
        %add3A_437 = arith.addf %add3A_428, %get3A_436 : vector<16xf32>
        %get3A_438 = arith.constant 0 : i32
        %get3A_439 = arith.index_cast %get3A_438 : i32 to index
        %get3A_440 = arith.index_cast %scan3A_389 : i32 to index
        %get3A_441 = arith.constant 48 : index
        %get3A_442 = tpu.vector_load %arg6[%get3A_439, %get3A_440, %get3A_441] {strides = array<i32>} : memref<2x200x64xf32, #tpu.memory_space<vmem>>, vector<1x1x16xf32>,
        %get3A_443 = vector.shape_cast %get3A_442 : vector<1x1x16xf32> to vector<16xf32>
        %add3A_444 = arith.addf %add3A_387, %get3A_443 : vector<16xf32>
        %add3A_445 = arith.constant 100 : i32
        %add3A_446 = arith.addi %scan3A_389, %add3A_445 : i32
        %get3A_447 = arith.constant 0 : i32
        %get3A_448 = arith.index_cast %get3A_447 : i32 to index
        %get3A_449 = arith.index_cast %add3A_446 : i32 to index
        %get3A_450 = arith.constant 48 : index
        %get3A_451 = tpu.vector_load %arg6[%get3A_448, %get3A_449, %get3A_450] {strides = array<i32>} : memref<2x200x64xf32, #tpu.memory_space<vmem>>, vector<1x1x16xf32>,
        %get3A_452 = vector.shape_cast %get3A_451 : vector<1x1x16xf32> to vector<16xf32>
        %add3A_453 = arith.addf %add3A_444, %get3A_452 : vector<16xf32>
        %scan3A_454 = arith.constant 4 : i32
        %scan3A_455 = arith.addi %scan3A_188, %scan3A_454 : i32
        %get3A_456 = arith.constant 0 : i32
        %get3A_457 = arith.index_cast %get3A_456 : i32 to index
        %get3A_458 = arith.index_cast %scan3A_455 : i32 to index
        %get3A_459 = arith.constant 0 : index
        %get3A_460 = tpu.vector_load %arg6[%get3A_457, %get3A_458, %get3A_459] {strides = array<i32>} : memref<2x200x64xf32, #tpu.memory_space<vmem>>, vector<1x1x16xf32>,
        %get3A_461 = vector.shape_cast %get3A_460 : vector<1x1x16xf32> to vector<16xf32>
        %add3A_462 = arith.addf %add3A_405, %get3A_461 : vector<16xf32>
        %add3A_463 = arith.constant 100 : i32
        %add3A_464 = arith.addi %scan3A_455, %add3A_463 : i32
        %get3A_465 = arith.constant 0 : i32
        %get3A_466 = arith.index_cast %get3A_465 : i32 to index
        %get3A_467 = arith.index_cast %add3A_464 : i32 to index
        %get3A_468 = arith.constant 0 : index
        %get3A_469 = tpu.vector_load %arg6[%get3A_466, %get3A_467, %get3A_468] {strides = array<i32>} : memref<2x200x64xf32, #tpu.memory_space<vmem>>, vector<1x1x16xf32>,
        %get3A_470 = vector.shape_cast %get3A_469 : vector<1x1x16xf32> to vector<16xf32>
        %add3A_471 = arith.addf %add3A_462, %get3A_470 : vector<16xf32>
        %get3A_472 = arith.constant 0 : i32
        %get3A_473 = arith.index_cast %get3A_472 : i32 to index
        %get3A_474 = arith.index_cast %scan3A_455 : i32 to index
        %get3A_475 = arith.constant 16 : index
        %get3A_476 = tpu.vector_load %arg6[%get3A_473, %get3A_474, %get3A_475] {strides = array<i32>} : memref<2x200x64xf32, #tpu.memory_space<vmem>>, vector<1x1x16xf32>,
        %get3A_477 = vector.shape_cast %get3A_476 : vector<1x1x16xf32> to vector<16xf32>
        %add3A_478 = arith.addf %add3A_421, %get3A_477 : vector<16xf32>
        %add3A_479 = arith.constant 100 : i32
        %add3A_480 = arith.addi %scan3A_455, %add3A_479 : i32
        %get3A_481 = arith.constant 0 : i32
        %get3A_482 = arith.index_cast %get3A_481 : i32 to index
        %get3A_483 = arith.index_cast %add3A_480 : i32 to index
        %get3A_484 = arith.constant 16 : index
        %get3A_485 = tpu.vector_load %arg6[%get3A_482, %get3A_483, %get3A_484] {strides = array<i32>} : memref<2x200x64xf32, #tpu.memory_space<vmem>>, vector<1x1x16xf32>,
        %get3A_486 = vector.shape_cast %get3A_485 : vector<1x1x16xf32> to vector<16xf32>
        %add3A_487 = arith.addf %add3A_478, %get3A_486 : vector<16xf32>
        %get3A_488 = arith.constant 0 : i32
        %get3A_489 = arith.index_cast %get3A_488 : i32 to index
        %get3A_490 = arith.index_cast %scan3A_455 : i32 to index
        %get3A_491 = arith.constant 32 : index
        %get3A_492 = tpu.vector_load %arg6[%get3A_489, %get3A_490, %get3A_491] {strides = array<i32>} : memref<2x200x64xf32, #tpu.memory_space<vmem>>, vector<1x1x16xf32>,
        %get3A_493 = vector.shape_cast %get3A_492 : vector<1x1x16xf32> to vector<16xf32>
        %add3A_494 = arith.addf %add3A_437, %get3A_493 : vector<16xf32>
        %add3A_495 = arith.constant 100 : i32
        %add3A_496 = arith.addi %scan3A_455, %add3A_495 : i32
        %get3A_497 = arith.constant 0 : i32
        %get3A_498 = arith.index_cast %get3A_497 : i32 to index
        %get3A_499 = arith.index_cast %add3A_496 : i32 to index
        %get3A_500 = arith.constant 32 : index
        %get3A_501 = tpu.vector_load %arg6[%get3A_498, %get3A_499, %get3A_500] {strides = array<i32>} : memref<2x200x64xf32, #tpu.memory_space<vmem>>, vector<1x1x16xf32>,
        %get3A_502 = vector.shape_cast %get3A_501 : vector<1x1x16xf32> to vector<16xf32>
        %add3A_503 = arith.addf %add3A_494, %get3A_502 : vector<16xf32>
        %get3A_504 = arith.constant 0 : i32
        %get3A_505 = arith.index_cast %get3A_504 : i32 to index
        %get3A_506 = arith.index_cast %scan3A_455 : i32 to index
        %get3A_507 = arith.constant 48 : index
        %get3A_508 = tpu.vector_load %arg6[%get3A_505, %get3A_506, %get3A_507] {strides = array<i32>} : memref<2x200x64xf32, #tpu.memory_space<vmem>>, vector<1x1x16xf32>,
        %get3A_509 = vector.shape_cast %get3A_508 : vector<1x1x16xf32> to vector<16xf32>
        %add3A_510 = arith.addf %add3A_453, %get3A_509 : vector<16xf32>
        %add3A_511 = arith.constant 100 : i32
        %add3A_512 = arith.addi %scan3A_455, %add3A_511 : i32
        %get3A_513 = arith.constant 0 : i32
        %get3A_514 = arith.index_cast %get3A_513 : i32 to index
        %get3A_515 = arith.index_cast %add3A_512 : i32 to index
        %get3A_516 = arith.constant 48 : index
        %get3A_517 = tpu.vector_load %arg6[%get3A_514, %get3A_515, %get3A_516] {strides = array<i32>} : memref<2x200x64xf32, #tpu.memory_space<vmem>>, vector<1x1x16xf32>,
        %get3A_518 = vector.shape_cast %get3A_517 : vector<1x1x16xf32> to vector<16xf32>
        %add3A_519 = arith.addf %add3A_510, %get3A_518 : vector<16xf32>
        %scan3A_520 = arith.constant 5 : i32
        %scan3A_521 = arith.addi %scan3A_188, %scan3A_520 : i32
        %get3A_522 = arith.constant 0 : i32
        %get3A_523 = arith.index_cast %get3A_522 : i32 to index
        %get3A_524 = arith.index_cast %scan3A_521 : i32 to index
        %get3A_525 = arith.constant 0 : index
        %get3A_526 = tpu.vector_load %arg6[%get3A_523, %get3A_524, %get3A_525] {strides = array<i32>} : memref<2x200x64xf32, #tpu.memory_space<vmem>>, vector<1x1x16xf32>,
        %get3A_527 = vector.shape_cast %get3A_526 : vector<1x1x16xf32> to vector<16xf32>
        %add3A_528 = arith.addf %add3A_471, %get3A_527 : vector<16xf32>
        %add3A_529 = arith.constant 100 : i32
        %add3A_530 = arith.addi %scan3A_521, %add3A_529 : i32
        %get3A_531 = arith.constant 0 : i32
        %get3A_532 = arith.index_cast %get3A_531 : i32 to index
        %get3A_533 = arith.index_cast %add3A_530 : i32 to index
        %get3A_534 = arith.constant 0 : index
        %get3A_535 = tpu.vector_load %arg6[%get3A_532, %get3A_533, %get3A_534] {strides = array<i32>} : memref<2x200x64xf32, #tpu.memory_space<vmem>>, vector<1x1x16xf32>,
        %get3A_536 = vector.shape_cast %get3A_535 : vector<1x1x16xf32> to vector<16xf32>
        %add3A_537 = arith.addf %add3A_528, %get3A_536 : vector<16xf32>
        %get3A_538 = arith.constant 0 : i32
        %get3A_539 = arith.index_cast %get3A_538 : i32 to index
        %get3A_540 = arith.index_cast %scan3A_521 : i32 to index
        %get3A_541 = arith.constant 16 : index
        %get3A_542 = tpu.vector_load %arg6[%get3A_539, %get3A_540, %get3A_541] {strides = array<i32>} : memref<2x200x64xf32, #tpu.memory_space<vmem>>, vector<1x1x16xf32>,
        %get3A_543 = vector.shape_cast %get3A_542 : vector<1x1x16xf32> to vector<16xf32>
        %add3A_544 = arith.addf %add3A_487, %get3A_543 : vector<16xf32>
        %add3A_545 = arith.constant 100 : i32
        %add3A_546 = arith.addi %scan3A_521, %add3A_545 : i32
        %get3A_547 = arith.constant 0 : i32
        %get3A_548 = arith.index_cast %get3A_547 : i32 to index
        %get3A_549 = arith.index_cast %add3A_546 : i32 to index
        %get3A_550 = arith.constant 16 : index
        %get3A_551 = tpu.vector_load %arg6[%get3A_548, %get3A_549, %get3A_550] {strides = array<i32>} : memref<2x200x64xf32, #tpu.memory_space<vmem>>, vector<1x1x16xf32>,
        %get3A_552 = vector.shape_cast %get3A_551 : vector<1x1x16xf32> to vector<16xf32>
        %add3A_553 = arith.addf %add3A_544, %get3A_552 : vector<16xf32>
        %get3A_554 = arith.constant 0 : i32
        %get3A_555 = arith.index_cast %get3A_554 : i32 to index
        %get3A_556 = arith.index_cast %scan3A_521 : i32 to index
        %get3A_557 = arith.constant 32 : index
        %get3A_558 = tpu.vector_load %arg6[%get3A_555, %get3A_556, %get3A_557] {strides = array<i32>} : memref<2x200x64xf32, #tpu.memory_space<vmem>>, vector<1x1x16xf32>,
        %get3A_559 = vector.shape_cast %get3A_558 : vector<1x1x16xf32> to vector<16xf32>
        %add3A_560 = arith.addf %add3A_503, %get3A_559 : vector<16xf32>
        %add3A_561 = arith.constant 100 : i32
        %add3A_562 = arith.addi %scan3A_521, %add3A_561 : i32
        %get3A_563 = arith.constant 0 : i32
        %get3A_564 = arith.index_cast %get3A_563 : i32 to index
        %get3A_565 = arith.index_cast %add3A_562 : i32 to index
        %get3A_566 = arith.constant 32 : index
        %get3A_567 = tpu.vector_load %arg6[%get3A_564, %get3A_565, %get3A_566] {strides = array<i32>} : memref<2x200x64xf32, #tpu.memory_space<vmem>>, vector<1x1x16xf32>,
        %get3A_568 = vector.shape_cast %get3A_567 : vector<1x1x16xf32> to vector<16xf32>
        %add3A_569 = arith.addf %add3A_560, %get3A_568 : vector<16xf32>
        %get3A_570 = arith.constant 0 : i32
        %get3A_571 = arith.index_cast %get3A_570 : i32 to index
        %get3A_572 = arith.index_cast %scan3A_521 : i32 to index
        %get3A_573 = arith.constant 48 : index
        %get3A_574 = tpu.vector_load %arg6[%get3A_571, %get3A_572, %get3A_573] {strides = array<i32>} : memref<2x200x64xf32, #tpu.memory_space<vmem>>, vector<1x1x16xf32>,
        %get3A_575 = vector.shape_cast %get3A_574 : vector<1x1x16xf32> to vector<16xf32>
        %add3A_576 = arith.addf %add3A_519, %get3A_575 : vector<16xf32>
        %add3A_577 = arith.constant 100 : i32
        %add3A_578 = arith.addi %scan3A_521, %add3A_577 : i32
        %get3A_579 = arith.constant 0 : i32
        %get3A_580 = arith.index_cast %get3A_579 : i32 to index
        %get3A_581 = arith.index_cast %add3A_578 : i32 to index
        %get3A_582 = arith.constant 48 : index
        %get3A_583 = tpu.vector_load %arg6[%get3A_580, %get3A_581, %get3A_582] {strides = array<i32>} : memref<2x200x64xf32, #tpu.memory_space<vmem>>, vector<1x1x16xf32>,
        %get3A_584 = vector.shape_cast %get3A_583 : vector<1x1x16xf32> to vector<16xf32>
        %add3A_585 = arith.addf %add3A_576, %get3A_584 : vector<16xf32>
        %scan3A_586 = arith.constant 6 : i32
        %scan3A_587 = arith.addi %scan3A_188, %scan3A_586 : i32
        %get3A_588 = arith.constant 0 : i32
        %get3A_589 = arith.index_cast %get3A_588 : i32 to index
        %get3A_590 = arith.index_cast %scan3A_587 : i32 to index
        %get3A_591 = arith.constant 0 : index
        %get3A_592 = tpu.vector_load %arg6[%get3A_589, %get3A_590, %get3A_591] {strides = array<i32>} : memref<2x200x64xf32, #tpu.memory_space<vmem>>, vector<1x1x16xf32>,
        %get3A_593 = vector.shape_cast %get3A_592 : vector<1x1x16xf32> to vector<16xf32>
        %add3A_594 = arith.addf %add3A_537, %get3A_593 : vector<16xf32>
        %add3A_595 = arith.constant 100 : i32
        %add3A_596 = arith.addi %scan3A_587, %add3A_595 : i32
        %get3A_597 = arith.constant 0 : i32
        %get3A_598 = arith.index_cast %get3A_597 : i32 to index
        %get3A_599 = arith.index_cast %add3A_596 : i32 to index
        %get3A_600 = arith.constant 0 : index
        %get3A_601 = tpu.vector_load %arg6[%get3A_598, %get3A_599, %get3A_600] {strides = array<i32>} : memref<2x200x64xf32, #tpu.memory_space<vmem>>, vector<1x1x16xf32>,
        %get3A_602 = vector.shape_cast %get3A_601 : vector<1x1x16xf32> to vector<16xf32>
        %add3A_603 = arith.addf %add3A_594, %get3A_602 : vector<16xf32>
        %get3A_604 = arith.constant 0 : i32
        %get3A_605 = arith.index_cast %get3A_604 : i32 to index
        %get3A_606 = arith.index_cast %scan3A_587 : i32 to index
        %get3A_607 = arith.constant 16 : index
        %get3A_608 = tpu.vector_load %arg6[%get3A_605, %get3A_606, %get3A_607] {strides = array<i32>} : memref<2x200x64xf32, #tpu.memory_space<vmem>>, vector<1x1x16xf32>,
        %get3A_609 = vector.shape_cast %get3A_608 : vector<1x1x16xf32> to vector<16xf32>
        %add3A_610 = arith.addf %add3A_553, %get3A_609 : vector<16xf32>
        %add3A_611 = arith.constant 100 : i32
        %add3A_612 = arith.addi %scan3A_587, %add3A_611 : i32
        %get3A_613 = arith.constant 0 : i32
        %get3A_614 = arith.index_cast %get3A_613 : i32 to index
        %get3A_615 = arith.index_cast %add3A_612 : i32 to index
        %get3A_616 = arith.constant 16 : index
        %get3A_617 = tpu.vector_load %arg6[%get3A_614, %get3A_615, %get3A_616] {strides = array<i32>} : memref<2x200x64xf32, #tpu.memory_space<vmem>>, vector<1x1x16xf32>,
        %get3A_618 = vector.shape_cast %get3A_617 : vector<1x1x16xf32> to vector<16xf32>
        %add3A_619 = arith.addf %add3A_610, %get3A_618 : vector<16xf32>
        %get3A_620 = arith.constant 0 : i32
        %get3A_621 = arith.index_cast %get3A_620 : i32 to index
        %get3A_622 = arith.index_cast %scan3A_587 : i32 to index
        %get3A_623 = arith.constant 32 : index
        %get3A_624 = tpu.vector_load %arg6[%get3A_621, %get3A_622, %get3A_623] {strides = array<i32>} : memref<2x200x64xf32, #tpu.memory_space<vmem>>, vector<1x1x16xf32>,
        %get3A_625 = vector.shape_cast %get3A_624 : vector<1x1x16xf32> to vector<16xf32>
        %add3A_626 = arith.addf %add3A_569, %get3A_625 : vector<16xf32>
        %add3A_627 = arith.constant 100 : i32
        %add3A_628 = arith.addi %scan3A_587, %add3A_627 : i32
        %get3A_629 = arith.constant 0 : i32
        %get3A_630 = arith.index_cast %get3A_629 : i32 to index
        %get3A_631 = arith.index_cast %add3A_628 : i32 to index
        %get3A_632 = arith.constant 32 : index
        %get3A_633 = tpu.vector_load %arg6[%get3A_630, %get3A_631, %get3A_632] {strides = array<i32>} : memref<2x200x64xf32, #tpu.memory_space<vmem>>, vector<1x1x16xf32>,
        %get3A_634 = vector.shape_cast %get3A_633 : vector<1x1x16xf32> to vector<16xf32>
        %add3A_635 = arith.addf %add3A_626, %get3A_634 : vector<16xf32>
        %get3A_636 = arith.constant 0 : i32
        %get3A_637 = arith.index_cast %get3A_636 : i32 to index
        %get3A_638 = arith.index_cast %scan3A_587 : i32 to index
        %get3A_639 = arith.constant 48 : index
        %get3A_640 = tpu.vector_load %arg6[%get3A_637, %get3A_638, %get3A_639] {strides = array<i32>} : memref<2x200x64xf32, #tpu.memory_space<vmem>>, vector<1x1x16xf32>,
        %get3A_641 = vector.shape_cast %get3A_640 : vector<1x1x16xf32> to vector<16xf32>
        %add3A_642 = arith.addf %add3A_585, %get3A_641 : vector<16xf32>
        %add3A_643 = arith.constant 100 : i32
        %add3A_644 = arith.addi %scan3A_587, %add3A_643 : i32
        %get3A_645 = arith.constant 0 : i32
        %get3A_646 = arith.index_cast %get3A_645 : i32 to index
        %get3A_647 = arith.index_cast %add3A_644 : i32 to index
        %get3A_648 = arith.constant 48 : index
        %get3A_649 = tpu.vector_load %arg6[%get3A_646, %get3A_647, %get3A_648] {strides = array<i32>} : memref<2x200x64xf32, #tpu.memory_space<vmem>>, vector<1x1x16xf32>,
        %get3A_650 = vector.shape_cast %get3A_649 : vector<1x1x16xf32> to vector<16xf32>
        %add3A_651 = arith.addf %add3A_642, %get3A_650 : vector<16xf32>
        %scan3A_652 = arith.constant 7 : i32
        %scan3A_653 = arith.addi %scan3A_188, %scan3A_652 : i32
        %get3A_654 = arith.constant 0 : i32
        %get3A_655 = arith.index_cast %get3A_654 : i32 to index
        %get3A_656 = arith.index_cast %scan3A_653 : i32 to index
        %get3A_657 = arith.constant 0 : index
        %get3A_658 = tpu.vector_load %arg6[%get3A_655, %get3A_656, %get3A_657] {strides = array<i32>} : memref<2x200x64xf32, #tpu.memory_space<vmem>>, vector<1x1x16xf32>,
        %get3A_659 = vector.shape_cast %get3A_658 : vector<1x1x16xf32> to vector<16xf32>
        %add3A_660 = arith.addf %add3A_603, %get3A_659 : vector<16xf32>
        %add3A_661 = arith.constant 100 : i32
        %add3A_662 = arith.addi %scan3A_653, %add3A_661 : i32
        %get3A_663 = arith.constant 0 : i32
        %get3A_664 = arith.index_cast %get3A_663 : i32 to index
        %get3A_665 = arith.index_cast %add3A_662 : i32 to index
        %get3A_666 = arith.constant 0 : index
        %get3A_667 = tpu.vector_load %arg6[%get3A_664, %get3A_665, %get3A_666] {strides = array<i32>} : memref<2x200x64xf32, #tpu.memory_space<vmem>>, vector<1x1x16xf32>,
        %get3A_668 = vector.shape_cast %get3A_667 : vector<1x1x16xf32> to vector<16xf32>
        %add3A_669 = arith.addf %add3A_660, %get3A_668 : vector<16xf32>
        %get3A_670 = arith.constant 0 : i32
        %get3A_671 = arith.index_cast %get3A_670 : i32 to index
        %get3A_672 = arith.index_cast %scan3A_653 : i32 to index
        %get3A_673 = arith.constant 16 : index
        %get3A_674 = tpu.vector_load %arg6[%get3A_671, %get3A_672, %get3A_673] {strides = array<i32>} : memref<2x200x64xf32, #tpu.memory_space<vmem>>, vector<1x1x16xf32>,
        %get3A_675 = vector.shape_cast %get3A_674 : vector<1x1x16xf32> to vector<16xf32>
        %add3A_676 = arith.addf %add3A_619, %get3A_675 : vector<16xf32>
        %add3A_677 = arith.constant 100 : i32
        %add3A_678 = arith.addi %scan3A_653, %add3A_677 : i32
        %get3A_679 = arith.constant 0 : i32
        %get3A_680 = arith.index_cast %get3A_679 : i32 to index
        %get3A_681 = arith.index_cast %add3A_678 : i32 to index
        %get3A_682 = arith.constant 16 : index
        %get3A_683 = tpu.vector_load %arg6[%get3A_680, %get3A_681, %get3A_682] {strides = array<i32>} : memref<2x200x64xf32, #tpu.memory_space<vmem>>, vector<1x1x16xf32>,
        %get3A_684 = vector.shape_cast %get3A_683 : vector<1x1x16xf32> to vector<16xf32>
        %add3A_685 = arith.addf %add3A_676, %get3A_684 : vector<16xf32>
        %get3A_686 = arith.constant 0 : i32
        %get3A_687 = arith.index_cast %get3A_686 : i32 to index
        %get3A_688 = arith.index_cast %scan3A_653 : i32 to index
        %get3A_689 = arith.constant 32 : index
        %get3A_690 = tpu.vector_load %arg6[%get3A_687, %get3A_688, %get3A_689] {strides = array<i32>} : memref<2x200x64xf32, #tpu.memory_space<vmem>>, vector<1x1x16xf32>,
        %get3A_691 = vector.shape_cast %get3A_690 : vector<1x1x16xf32> to vector<16xf32>
        %add3A_692 = arith.addf %add3A_635, %get3A_691 : vector<16xf32>
        %add3A_693 = arith.constant 100 : i32
        %add3A_694 = arith.addi %scan3A_653, %add3A_693 : i32
        %get3A_695 = arith.constant 0 : i32
        %get3A_696 = arith.index_cast %get3A_695 : i32 to index
        %get3A_697 = arith.index_cast %add3A_694 : i32 to index
        %get3A_698 = arith.constant 32 : index
        %get3A_699 = tpu.vector_load %arg6[%get3A_696, %get3A_697, %get3A_698] {strides = array<i32>} : memref<2x200x64xf32, #tpu.memory_space<vmem>>, vector<1x1x16xf32>,
        %get3A_700 = vector.shape_cast %get3A_699 : vector<1x1x16xf32> to vector<16xf32>
        %add3A_701 = arith.addf %add3A_692, %get3A_700 : vector<16xf32>
        %get3A_702 = arith.constant 0 : i32
        %get3A_703 = arith.index_cast %get3A_702 : i32 to index
        %get3A_704 = arith.index_cast %scan3A_653 : i32 to index
        %get3A_705 = arith.constant 48 : index
        %get3A_706 = tpu.vector_load %arg6[%get3A_703, %get3A_704, %get3A_705] {strides = array<i32>} : memref<2x200x64xf32, #tpu.memory_space<vmem>>, vector<1x1x16xf32>,
        %get3A_707 = vector.shape_cast %get3A_706 : vector<1x1x16xf32> to vector<16xf32>
        %add3A_708 = arith.addf %add3A_651, %get3A_707 : vector<16xf32>
        %add3A_709 = arith.constant 100 : i32
        %add3A_710 = arith.addi %scan3A_653, %add3A_709 : i32
        %get3A_711 = arith.constant 0 : i32
        %get3A_712 = arith.index_cast %get3A_711 : i32 to index
        %get3A_713 = arith.index_cast %add3A_710 : i32 to index
        %get3A_714 = arith.constant 48 : index
        %get3A_715 = tpu.vector_load %arg6[%get3A_712, %get3A_713, %get3A_714] {strides = array<i32>} : memref<2x200x64xf32, #tpu.memory_space<vmem>>, vector<1x1x16xf32>,
        %get3A_716 = vector.shape_cast %get3A_715 : vector<1x1x16xf32> to vector<16xf32>
        %add3A_717 = arith.addf %add3A_708, %get3A_716 : vector<16xf32>
        %scan3A_718 = arith.constant 8 : i32
        %scan3A_719 = arith.addi %scan3A_188, %scan3A_718 : i32
        %get3A_720 = arith.constant 0 : i32
        %get3A_721 = arith.index_cast %get3A_720 : i32 to index
        %get3A_722 = arith.index_cast %scan3A_719 : i32 to index
        %get3A_723 = arith.constant 0 : index
        %get3A_724 = tpu.vector_load %arg6[%get3A_721, %get3A_722, %get3A_723] {strides = array<i32>} : memref<2x200x64xf32, #tpu.memory_space<vmem>>, vector<1x1x16xf32>,
        %get3A_725 = vector.shape_cast %get3A_724 : vector<1x1x16xf32> to vector<16xf32>
        %add3A_726 = arith.addf %add3A_669, %get3A_725 : vector<16xf32>
        %add3A_727 = arith.constant 100 : i32
        %add3A_728 = arith.addi %scan3A_719, %add3A_727 : i32
        %get3A_729 = arith.constant 0 : i32
        %get3A_730 = arith.index_cast %get3A_729 : i32 to index
        %get3A_731 = arith.index_cast %add3A_728 : i32 to index
        %get3A_732 = arith.constant 0 : index
        %get3A_733 = tpu.vector_load %arg6[%get3A_730, %get3A_731, %get3A_732] {strides = array<i32>} : memref<2x200x64xf32, #tpu.memory_space<vmem>>, vector<1x1x16xf32>,
        %get3A_734 = vector.shape_cast %get3A_733 : vector<1x1x16xf32> to vector<16xf32>
        %add3A_735 = arith.addf %add3A_726, %get3A_734 : vector<16xf32>
        %get3A_736 = arith.constant 0 : i32
        %get3A_737 = arith.index_cast %get3A_736 : i32 to index
        %get3A_738 = arith.index_cast %scan3A_719 : i32 to index
        %get3A_739 = arith.constant 16 : index
        %get3A_740 = tpu.vector_load %arg6[%get3A_737, %get3A_738, %get3A_739] {strides = array<i32>} : memref<2x200x64xf32, #tpu.memory_space<vmem>>, vector<1x1x16xf32>,
        %get3A_741 = vector.shape_cast %get3A_740 : vector<1x1x16xf32> to vector<16xf32>
        %add3A_742 = arith.addf %add3A_685, %get3A_741 : vector<16xf32>
        %add3A_743 = arith.constant 100 : i32
        %add3A_744 = arith.addi %scan3A_719, %add3A_743 : i32
        %get3A_745 = arith.constant 0 : i32
        %get3A_746 = arith.index_cast %get3A_745 : i32 to index
        %get3A_747 = arith.index_cast %add3A_744 : i32 to index
        %get3A_748 = arith.constant 16 : index
        %get3A_749 = tpu.vector_load %arg6[%get3A_746, %get3A_747, %get3A_748] {strides = array<i32>} : memref<2x200x64xf32, #tpu.memory_space<vmem>>, vector<1x1x16xf32>,
        %get3A_750 = vector.shape_cast %get3A_749 : vector<1x1x16xf32> to vector<16xf32>
        %add3A_751 = arith.addf %add3A_742, %get3A_750 : vector<16xf32>
        %get3A_752 = arith.constant 0 : i32
        %get3A_753 = arith.index_cast %get3A_752 : i32 to index
        %get3A_754 = arith.index_cast %scan3A_719 : i32 to index
        %get3A_755 = arith.constant 32 : index
        %get3A_756 = tpu.vector_load %arg6[%get3A_753, %get3A_754, %get3A_755] {strides = array<i32>} : memref<2x200x64xf32, #tpu.memory_space<vmem>>, vector<1x1x16xf32>,
        %get3A_757 = vector.shape_cast %get3A_756 : vector<1x1x16xf32> to vector<16xf32>
        %add3A_758 = arith.addf %add3A_701, %get3A_757 : vector<16xf32>
        %add3A_759 = arith.constant 100 : i32
        %add3A_760 = arith.addi %scan3A_719, %add3A_759 : i32
        %get3A_761 = arith.constant 0 : i32
        %get3A_762 = arith.index_cast %get3A_761 : i32 to index
        %get3A_763 = arith.index_cast %add3A_760 : i32 to index
        %get3A_764 = arith.constant 32 : index
        %get3A_765 = tpu.vector_load %arg6[%get3A_762, %get3A_763, %get3A_764] {strides = array<i32>} : memref<2x200x64xf32, #tpu.memory_space<vmem>>, vector<1x1x16xf32>,
        %get3A_766 = vector.shape_cast %get3A_765 : vector<1x1x16xf32> to vector<16xf32>
        %add3A_767 = arith.addf %add3A_758, %get3A_766 : vector<16xf32>
        %get3A_768 = arith.constant 0 : i32
        %get3A_769 = arith.index_cast %get3A_768 : i32 to index
        %get3A_770 = arith.index_cast %scan3A_719 : i32 to index
        %get3A_771 = arith.constant 48 : index
        %get3A_772 = tpu.vector_load %arg6[%get3A_769, %get3A_770, %get3A_771] {strides = array<i32>} : memref<2x200x64xf32, #tpu.memory_space<vmem>>, vector<1x1x16xf32>,
        %get3A_773 = vector.shape_cast %get3A_772 : vector<1x1x16xf32> to vector<16xf32>
        %add3A_774 = arith.addf %add3A_717, %get3A_773 : vector<16xf32>
        %add3A_775 = arith.constant 100 : i32
        %add3A_776 = arith.addi %scan3A_719, %add3A_775 : i32
        %get3A_777 = arith.constant 0 : i32
        %get3A_778 = arith.index_cast %get3A_777 : i32 to index
        %get3A_779 = arith.index_cast %add3A_776 : i32 to index
        %get3A_780 = arith.constant 48 : index
        %get3A_781 = tpu.vector_load %arg6[%get3A_778, %get3A_779, %get3A_780] {strides = array<i32>} : memref<2x200x64xf32, #tpu.memory_space<vmem>>, vector<1x1x16xf32>,
        %get3A_782 = vector.shape_cast %get3A_781 : vector<1x1x16xf32> to vector<16xf32>
        %add3A_783 = arith.addf %add3A_774, %get3A_782 : vector<16xf32>
        %scan3A_784 = arith.constant 9 : i32
        %scan3A_785 = arith.addi %scan3A_188, %scan3A_784 : i32
        %get3A_786 = arith.constant 0 : i32
        %get3A_787 = arith.index_cast %get3A_786 : i32 to index
        %get3A_788 = arith.index_cast %scan3A_785 : i32 to index
        %get3A_789 = arith.constant 0 : index
        %get3A_790 = tpu.vector_load %arg6[%get3A_787, %get3A_788, %get3A_789] {strides = array<i32>} : memref<2x200x64xf32, #tpu.memory_space<vmem>>, vector<1x1x16xf32>,
        %get3A_791 = vector.shape_cast %get3A_790 : vector<1x1x16xf32> to vector<16xf32>
        %add3A_792 = arith.addf %add3A_735, %get3A_791 : vector<16xf32>
        %add3A_793 = arith.constant 100 : i32
        %add3A_794 = arith.addi %scan3A_785, %add3A_793 : i32
        %get3A_795 = arith.constant 0 : i32
        %get3A_796 = arith.index_cast %get3A_795 : i32 to index
        %get3A_797 = arith.index_cast %add3A_794 : i32 to index
        %get3A_798 = arith.constant 0 : index
        %get3A_799 = tpu.vector_load %arg6[%get3A_796, %get3A_797, %get3A_798] {strides = array<i32>} : memref<2x200x64xf32, #tpu.memory_space<vmem>>, vector<1x1x16xf32>,
        %get3A_800 = vector.shape_cast %get3A_799 : vector<1x1x16xf32> to vector<16xf32>
        %add3A_801 = arith.addf %add3A_792, %get3A_800 : vector<16xf32>
        %get3A_802 = arith.constant 0 : i32
        %get3A_803 = arith.index_cast %get3A_802 : i32 to index
        %get3A_804 = arith.index_cast %scan3A_785 : i32 to index
        %get3A_805 = arith.constant 16 : index
        %get3A_806 = tpu.vector_load %arg6[%get3A_803, %get3A_804, %get3A_805] {strides = array<i32>} : memref<2x200x64xf32, #tpu.memory_space<vmem>>, vector<1x1x16xf32>,
        %get3A_807 = vector.shape_cast %get3A_806 : vector<1x1x16xf32> to vector<16xf32>
        %add3A_808 = arith.addf %add3A_751, %get3A_807 : vector<16xf32>
        %add3A_809 = arith.constant 100 : i32
        %add3A_810 = arith.addi %scan3A_785, %add3A_809 : i32
        %get3A_811 = arith.constant 0 : i32
        %get3A_812 = arith.index_cast %get3A_811 : i32 to index
        %get3A_813 = arith.index_cast %add3A_810 : i32 to index
        %get3A_814 = arith.constant 16 : index
        %get3A_815 = tpu.vector_load %arg6[%get3A_812, %get3A_813, %get3A_814] {strides = array<i32>} : memref<2x200x64xf32, #tpu.memory_space<vmem>>, vector<1x1x16xf32>,
        %get3A_816 = vector.shape_cast %get3A_815 : vector<1x1x16xf32> to vector<16xf32>
        %add3A_817 = arith.addf %add3A_808, %get3A_816 : vector<16xf32>
        %get3A_818 = arith.constant 0 : i32
        %get3A_819 = arith.index_cast %get3A_818 : i32 to index
        %get3A_820 = arith.index_cast %scan3A_785 : i32 to index
        %get3A_821 = arith.constant 32 : index
        %get3A_822 = tpu.vector_load %arg6[%get3A_819, %get3A_820, %get3A_821] {strides = array<i32>} : memref<2x200x64xf32, #tpu.memory_space<vmem>>, vector<1x1x16xf32>,
        %get3A_823 = vector.shape_cast %get3A_822 : vector<1x1x16xf32> to vector<16xf32>
        %add3A_824 = arith.addf %add3A_767, %get3A_823 : vector<16xf32>
        %add3A_825 = arith.constant 100 : i32
        %add3A_826 = arith.addi %scan3A_785, %add3A_825 : i32
        %get3A_827 = arith.constant 0 : i32
        %get3A_828 = arith.index_cast %get3A_827 : i32 to index
        %get3A_829 = arith.index_cast %add3A_826 : i32 to index
        %get3A_830 = arith.constant 32 : index
        %get3A_831 = tpu.vector_load %arg6[%get3A_828, %get3A_829, %get3A_830] {strides = array<i32>} : memref<2x200x64xf32, #tpu.memory_space<vmem>>, vector<1x1x16xf32>,
        %get3A_832 = vector.shape_cast %get3A_831 : vector<1x1x16xf32> to vector<16xf32>
        %add3A_833 = arith.addf %add3A_824, %get3A_832 : vector<16xf32>
        %get3A_834 = arith.constant 0 : i32
        %get3A_835 = arith.index_cast %get3A_834 : i32 to index
        %get3A_836 = arith.index_cast %scan3A_785 : i32 to index
        %get3A_837 = arith.constant 48 : index
        %get3A_838 = tpu.vector_load %arg6[%get3A_835, %get3A_836, %get3A_837] {strides = array<i32>} : memref<2x200x64xf32, #tpu.memory_space<vmem>>, vector<1x1x16xf32>,
        %get3A_839 = vector.shape_cast %get3A_838 : vector<1x1x16xf32> to vector<16xf32>
        %add3A_840 = arith.addf %add3A_783, %get3A_839 : vector<16xf32>
        %add3A_841 = arith.constant 100 : i32
        %add3A_842 = arith.addi %scan3A_785, %add3A_841 : i32
        %get3A_843 = arith.constant 0 : i32
        %get3A_844 = arith.index_cast %get3A_843 : i32 to index
        %get3A_845 = arith.index_cast %add3A_842 : i32 to index
        %get3A_846 = arith.constant 48 : index
        %get3A_847 = tpu.vector_load %arg6[%get3A_844, %get3A_845, %get3A_846] {strides = array<i32>} : memref<2x200x64xf32, #tpu.memory_space<vmem>>, vector<1x1x16xf32>,
        %get3A_848 = vector.shape_cast %get3A_847 : vector<1x1x16xf32> to vector<16xf32>
        %add3A_849 = arith.addf %add3A_840, %get3A_848 : vector<16xf32>
        scf.yield %add3A_801, %add3A_817, %add3A_833, %add3A_849 : vector<16xf32>, vector<16xf32>, vector<16xf32>, vector<16xf32>
      }
      %scan3A_87 = arith.constant 100 : i32
      %mul3A_88 = arith.constant 5.000000e-03 : f32
      %mul3A_89 = vector.broadcast %mul3A_88 : f32 to vector<16xf32>
      %mul3A_90 = arith.mulf %scan3A_86#0, %mul3A_89 : vector<16xf32>
      %swap3A = arith.index_cast %mul3A_35 : i32 to index
      %swap3A_91 = arith.constant 0 : index
      %swap3A_92 = tpu.vector_load %arg7[%swap3A, %swap3A_91] {strides = array<i32>} : memref<128x64xf32, #tpu.memory_space<vmem>>, vector<1x16xf32>,
      %swap3A_93 = vector.shape_cast %swap3A_92 : vector<1x16xf32> to vector<16xf32>
      %swap3A_94 = vector.shape_cast %mul3A_90 : vector<16xf32> to vector<1x16xf32>
      tpu.vector_store %arg7[%swap3A, %swap3A_91], %swap3A_94 {strides = array<i32>} : memref<128x64xf32, #tpu.memory_space<vmem>>, vector<1x16xf32>,
      %mul3A_95 = arith.constant 5.000000e-03 : f32
      %mul3A_96 = vector.broadcast %mul3A_95 : f32 to vector<16xf32>
      %mul3A_97 = arith.mulf %scan3A_86#1, %mul3A_96 : vector<16xf32>
      %swap3A_98 = arith.index_cast %mul3A_35 : i32 to index
      %swap3A_99 = arith.constant 16 : index
      %swap3A_100 = tpu.vector_load %arg7[%swap3A_98, %swap3A_99] {strides = array<i32>} : memref<128x64xf32, #tpu.memory_space<vmem>>, vector<1x16xf32>,
      %swap3A_101 = vector.shape_cast %swap3A_100 : vector<1x16xf32> to vector<16xf32>
      %swap3A_102 = vector.shape_cast %mul3A_97 : vector<16xf32> to vector<1x16xf32>
      tpu.vector_store %arg7[%swap3A_98, %swap3A_99], %swap3A_102 {strides = array<i32>} : memref<128x64xf32, #tpu.memory_space<vmem>>, vector<1x16xf32>,
      %mul3A_103 = arith.constant 5.000000e-03 : f32
      %mul3A_104 = vector.broadcast %mul3A_103 : f32 to vector<16xf32>
      %mul3A_105 = arith.mulf %scan3A_86#2, %mul3A_104 : vector<16xf32>
      %swap3A_106 = arith.index_cast %mul3A_35 : i32 to index
      %swap3A_107 = arith.constant 32 : index
      %swap3A_108 = tpu.vector_load %arg7[%swap3A_106, %swap3A_107] {strides = array<i32>} : memref<128x64xf32, #tpu.memory_space<vmem>>, vector<1x16xf32>,
      %swap3A_109 = vector.shape_cast %swap3A_108 : vector<1x16xf32> to vector<16xf32>
      %swap3A_110 = vector.shape_cast %mul3A_105 : vector<16xf32> to vector<1x16xf32>
      tpu.vector_store %arg7[%swap3A_106, %swap3A_107], %swap3A_110 {strides = array<i32>} : memref<128x64xf32, #tpu.memory_space<vmem>>, vector<1x16xf32>,
      %mul3A_111 = arith.constant 5.000000e-03 : f32
      %mul3A_112 = vector.broadcast %mul3A_111 : f32 to vector<16xf32>
      %mul3A_113 = arith.mulf %scan3A_86#3, %mul3A_112 : vector<16xf32>
      %swap3A_114 = arith.index_cast %mul3A_35 : i32 to index
      %swap3A_115 = arith.constant 48 : index
      %swap3A_116 = tpu.vector_load %arg7[%swap3A_114, %swap3A_115] {strides = array<i32>} : memref<128x64xf32, #tpu.memory_space<vmem>>, vector<1x16xf32>,
      %swap3A_117 = vector.shape_cast %swap3A_116 : vector<1x16xf32> to vector<16xf32>
      %swap3A_118 = vector.shape_cast %mul3A_113 : vector<16xf32> to vector<1x16xf32>
      tpu.vector_store %arg7[%swap3A_114, %swap3A_115], %swap3A_118 {strides = array<i32>} : memref<128x64xf32, #tpu.memory_space<vmem>>, vector<1x16xf32>,
      %lt3A = arith.constant 63 : i32
      %lt3A_119 = arith.cmpi slt, %scan3A_32, %lt3A : i32
      %convert_element_type3A = arith.extui %lt3A_119 : i1 to i32
      %cond3A = arith.constant 0 : i32
      %cond3A_120 = arith.cmpi ne, %convert_element_type3A, %cond3A : i32
      scf.if %cond3A_120 {
        %add3A_188 = arith.constant 2 : i32
        %add3A_189 = arith.addi %mul3A_35, %add3A_188 : i32
        %dma_start3A_190 = arith.constant 0 : i32
        %dma_start3A_191 = arith.constant 0 : i32
        %dma_start3A_192 = arith.constant 0 : i32
        %dma_start3A_193 = tpu.memref_slice %arg6[%dma_start3A_190, %dma_start3A_191, %dma_start3A_192] : memref<2x200x64xf32, #tpu.memory_space<vmem>> -> memref<1x96x64xf32, #tpu.memory_space<vmem>>
        %dma_start3A_194 = tpu.memref_squeeze %dma_start3A_193 : memref<1x96x64xf32, #tpu.memory_space<vmem>> -> memref<96x64xf32, #tpu.memory_space<vmem>>
        %dma_start3A_195 = arith.constant 0 : i32
        %dma_start3A_196 = tpu.memref_slice %arg5[%add3A_189, %dma_start3A_195] : memref<128x200xi32, #tpu.memory_space<vmem>> -> memref<1x96xi32, #tpu.memory_space<vmem>>
        %dma_start3A_197 = tpu.memref_squeeze %dma_start3A_196 : memref<1x96xi32, #tpu.memory_space<vmem>> -> memref<96xi32, #tpu.memory_space<vmem>>
        %dma_start3A_198 = arith.constant 0 : i32
        %dma_start3A_199 = arith.constant 0 : i32
        %dma_start3A_200 = tpu.memref_slice %arg3[%dma_start3A_198, %dma_start3A_199] : memref<1000000x64xf32, #tpu.memory_space<hbm>> -> memref<1000000x64xf32, #tpu.memory_space<hbm>>
        tpu.enqueue_indirect_dma source(%dma_start3A_200 : memref<1000000x64xf32, #tpu.memory_space<hbm>>) target(%dma_start3A_194 : memref<96x64xf32, #tpu.memory_space<vmem>>) offsets(%dma_start3A_197 : memref<96xi32, #tpu.memory_space<vmem>>) semaphore(%arg8 : memref<!tpu.dma_semaphore, #tpu.memory_space<semaphore_mem>>)
        %dma_start3A_201 = arith.constant 0 : i32
        %dma_start3A_202 = arith.constant 96 : i32
        %dma_start3A_203 = arith.constant 0 : i32
        %dma_start3A_204 = tpu.memref_slice %arg6[%dma_start3A_201, %dma_start3A_202, %dma_start3A_203] : memref<2x200x64xf32, #tpu.memory_space<vmem>> -> memref<1x104x64xf32, #tpu.memory_space<vmem>>
        %dma_start3A_205 = tpu.memref_squeeze %dma_start3A_204 : memref<1x104x64xf32, #tpu.memory_space<vmem>> -> memref<104x64xf32, #tpu.memory_space<vmem>>
        %dma_start3A_206 = arith.constant 96 : i32
        %dma_start3A_207 = tpu.memref_slice %arg5[%add3A_189, %dma_start3A_206] : memref<128x200xi32, #tpu.memory_space<vmem>> -> memref<1x104xi32, #tpu.memory_space<vmem>>
        %dma_start3A_208 = tpu.memref_squeeze %dma_start3A_207 : memref<1x104xi32, #tpu.memory_space<vmem>> -> memref<104xi32, #tpu.memory_space<vmem>>
        %dma_start3A_209 = arith.constant 0 : i32
        %dma_start3A_210 = arith.constant 0 : i32
        %dma_start3A_211 = tpu.memref_slice %arg3[%dma_start3A_209, %dma_start3A_210] : memref<1000000x64xf32, #tpu.memory_space<hbm>> -> memref<1000000x64xf32, #tpu.memory_space<hbm>>
        tpu.enqueue_indirect_dma source(%dma_start3A_211 : memref<1000000x64xf32, #tpu.memory_space<hbm>>) target(%dma_start3A_205 : memref<104x64xf32, #tpu.memory_space<vmem>>) offsets(%dma_start3A_208 : memref<104xi32, #tpu.memory_space<vmem>>) semaphore(%arg8 : memref<!tpu.dma_semaphore, #tpu.memory_space<semaphore_mem>>)
      } else {
      }
      %add3A_121 = arith.constant 1 : i32
      %add3A_122 = arith.addi %mul3A_35, %add3A_121 : i32
      %dma_wait3A_123 = arith.constant 1 : i32
      %dma_wait3A_124 = arith.constant 0 : i32
      %dma_wait3A_125 = arith.constant 0 : i32
      %dma_wait3A_126 = tpu.memref_slice %arg6[%dma_wait3A_123, %dma_wait3A_124, %dma_wait3A_125] : memref<2x200x64xf32, #tpu.memory_space<vmem>> -> memref<1x96x64xf32, #tpu.memory_space<vmem>>
      %dma_wait3A_127 = tpu.memref_squeeze %dma_wait3A_126 : memref<1x96x64xf32, #tpu.memory_space<vmem>> -> memref<96x64xf32, #tpu.memory_space<vmem>>
      %dma_wait3A_128 = arith.constant 0 : i32
      %dma_wait3A_129 = tpu.memref_slice %arg5[%add3A_122, %dma_wait3A_128] : memref<128x200xi32, #tpu.memory_space<vmem>> -> memref<1x96xi32, #tpu.memory_space<vmem>>
      %dma_wait3A_130 = tpu.memref_squeeze %dma_wait3A_129 : memref<1x96xi32, #tpu.memory_space<vmem>> -> memref<96xi32, #tpu.memory_space<vmem>>
      %dma_wait3A_131 = arith.constant 0 : i32
      %dma_wait3A_132 = arith.constant 0 : i32
      %dma_wait3A_133 = tpu.memref_slice %arg3[%dma_wait3A_131, %dma_wait3A_132] : memref<1000000x64xf32, #tpu.memory_space<hbm>> -> memref<1000000x64xf32, #tpu.memory_space<hbm>>
      tpu.wait_indirect_dma semaphore(%arg9 : memref<!tpu.dma_semaphore, #tpu.memory_space<semaphore_mem>>) src(%dma_wait3A_133 : memref<1000000x64xf32, #tpu.memory_space<hbm>>) dst(%dma_wait3A_127 : memref<96x64xf32, #tpu.memory_space<vmem>>)
      %dma_wait3A_134 = arith.constant 1 : i32
      %dma_wait3A_135 = arith.constant 96 : i32
      %dma_wait3A_136 = arith.constant 0 : i32
      %dma_wait3A_137 = tpu.memref_slice %arg6[%dma_wait3A_134, %dma_wait3A_135, %dma_wait3A_136] : memref<2x200x64xf32, #tpu.memory_space<vmem>> -> memref<1x104x64xf32, #tpu.memory_space<vmem>>
      %dma_wait3A_138 = tpu.memref_squeeze %dma_wait3A_137 : memref<1x104x64xf32, #tpu.memory_space<vmem>> -> memref<104x64xf32, #tpu.memory_space<vmem>>
      %dma_wait3A_139 = arith.constant 96 : i32
      %dma_wait3A_140 = tpu.memref_slice %arg5[%add3A_122, %dma_wait3A_139] : memref<128x200xi32, #tpu.memory_space<vmem>> -> memref<1x104xi32, #tpu.memory_space<vmem>>
      %dma_wait3A_141 = tpu.memref_squeeze %dma_wait3A_140 : memref<1x104xi32, #tpu.memory_space<vmem>> -> memref<104xi32, #tpu.memory_space<vmem>>
      %dma_wait3A_142 = arith.constant 0 : i32
      %dma_wait3A_143 = arith.constant 0 : i32
      %dma_wait3A_144 = tpu.memref_slice %arg3[%dma_wait3A_142, %dma_wait3A_143] : memref<1000000x64xf32, #tpu.memory_space<hbm>> -> memref<1000000x64xf32, #tpu.memory_space<hbm>>
      tpu.wait_indirect_dma semaphore(%arg9 : memref<!tpu.dma_semaphore, #tpu.memory_space<semaphore_mem>>) src(%dma_wait3A_144 : memref<1000000x64xf32, #tpu.memory_space<hbm>>) dst(%dma_wait3A_138 : memref<104x64xf32, #tpu.memory_space<vmem>>)
      %add3A_145 = arith.constant 1 : i32
      %add3A_146 = arith.addi %mul3A_35, %add3A_145 : i32
      %broadcast_in_dim3A_147 = arith.constant 0.000000e+00 : f32
      %broadcast_in_dim3A_148 = vector.broadcast %broadcast_in_dim3A_147 : f32 to vector<16xf32>
      %scan3A_149 = arith.constant 0 : i32
      %scan3A_150 = arith.constant 100 : i32
      %scan3A_151 = arith.addi %scan3A_149, %scan3A_150 : i32
      %scan3A_152 = arith.constant 10 : i32
      %scan3A_153:4 = scf.for %scan3A_188 = %scan3A_149 to %scan3A_151 step %scan3A_152 iter_args(%scan3A_189 = %broadcast_in_dim3A_148, %scan3A_190 = %broadcast_in_dim3A_148, %scan3A_191 = %broadcast_in_dim3A_148, %scan3A_192 = %broadcast_in_dim3A_148) -> (vector<16xf32>, vector<16xf32>, vector<16xf32>, vector<16xf32>)  : i32 {
        %get3A = arith.constant 1 : i32
        %get3A_193 = arith.index_cast %get3A : i32 to index
        %get3A_194 = arith.index_cast %scan3A_188 : i32 to index
        %get3A_195 = arith.constant 0 : index
        %get3A_196 = tpu.vector_load %arg6[%get3A_193, %get3A_194, %get3A_195] {strides = array<i32>} : memref<2x200x64xf32, #tpu.memory_space<vmem>>, vector<1x1x16xf32>,
        %get3A_197 = vector.shape_cast %get3A_196 : vector<1x1x16xf32> to vector<16xf32>
        %add3A_198 = arith.addf %scan3A_189, %get3A_197 : vector<16xf32>
        %add3A_199 = arith.constant 100 : i32
        %add3A_200 = arith.addi %scan3A_188, %add3A_199 : i32
        %get3A_201 = arith.constant 1 : i32
        %get3A_202 = arith.index_cast %get3A_201 : i32 to index
        %get3A_203 = arith.index_cast %add3A_200 : i32 to index
        %get3A_204 = arith.constant 0 : index
        %get3A_205 = tpu.vector_load %arg6[%get3A_202, %get3A_203, %get3A_204] {strides = array<i32>} : memref<2x200x64xf32, #tpu.memory_space<vmem>>, vector<1x1x16xf32>,
        %get3A_206 = vector.shape_cast %get3A_205 : vector<1x1x16xf32> to vector<16xf32>
        %add3A_207 = arith.addf %add3A_198, %get3A_206 : vector<16xf32>
        %get3A_208 = arith.constant 1 : i32
        %get3A_209 = arith.index_cast %get3A_208 : i32 to index
        %get3A_210 = arith.index_cast %scan3A_188 : i32 to index
        %get3A_211 = arith.constant 16 : index
        %get3A_212 = tpu.vector_load %arg6[%get3A_209, %get3A_210, %get3A_211] {strides = array<i32>} : memref<2x200x64xf32, #tpu.memory_space<vmem>>, vector<1x1x16xf32>,
        %get3A_213 = vector.shape_cast %get3A_212 : vector<1x1x16xf32> to vector<16xf32>
        %add3A_214 = arith.addf %scan3A_190, %get3A_213 : vector<16xf32>
        %add3A_215 = arith.constant 100 : i32
        %add3A_216 = arith.addi %scan3A_188, %add3A_215 : i32
        %get3A_217 = arith.constant 1 : i32
        %get3A_218 = arith.index_cast %get3A_217 : i32 to index
        %get3A_219 = arith.index_cast %add3A_216 : i32 to index
        %get3A_220 = arith.constant 16 : index
        %get3A_221 = tpu.vector_load %arg6[%get3A_218, %get3A_219, %get3A_220] {strides = array<i32>} : memref<2x200x64xf32, #tpu.memory_space<vmem>>, vector<1x1x16xf32>,
        %get3A_222 = vector.shape_cast %get3A_221 : vector<1x1x16xf32> to vector<16xf32>
        %add3A_223 = arith.addf %add3A_214, %get3A_222 : vector<16xf32>
        %get3A_224 = arith.constant 1 : i32
        %get3A_225 = arith.index_cast %get3A_224 : i32 to index
        %get3A_226 = arith.index_cast %scan3A_188 : i32 to index
        %get3A_227 = arith.constant 32 : index
        %get3A_228 = tpu.vector_load %arg6[%get3A_225, %get3A_226, %get3A_227] {strides = array<i32>} : memref<2x200x64xf32, #tpu.memory_space<vmem>>, vector<1x1x16xf32>,
        %get3A_229 = vector.shape_cast %get3A_228 : vector<1x1x16xf32> to vector<16xf32>
        %add3A_230 = arith.addf %scan3A_191, %get3A_229 : vector<16xf32>
        %add3A_231 = arith.constant 100 : i32
        %add3A_232 = arith.addi %scan3A_188, %add3A_231 : i32
        %get3A_233 = arith.constant 1 : i32
        %get3A_234 = arith.index_cast %get3A_233 : i32 to index
        %get3A_235 = arith.index_cast %add3A_232 : i32 to index
        %get3A_236 = arith.constant 32 : index
        %get3A_237 = tpu.vector_load %arg6[%get3A_234, %get3A_235, %get3A_236] {strides = array<i32>} : memref<2x200x64xf32, #tpu.memory_space<vmem>>, vector<1x1x16xf32>,
        %get3A_238 = vector.shape_cast %get3A_237 : vector<1x1x16xf32> to vector<16xf32>
        %add3A_239 = arith.addf %add3A_230, %get3A_238 : vector<16xf32>
        %get3A_240 = arith.constant 1 : i32
        %get3A_241 = arith.index_cast %get3A_240 : i32 to index
        %get3A_242 = arith.index_cast %scan3A_188 : i32 to index
        %get3A_243 = arith.constant 48 : index
        %get3A_244 = tpu.vector_load %arg6[%get3A_241, %get3A_242, %get3A_243] {strides = array<i32>} : memref<2x200x64xf32, #tpu.memory_space<vmem>>, vector<1x1x16xf32>,
        %get3A_245 = vector.shape_cast %get3A_244 : vector<1x1x16xf32> to vector<16xf32>
        %add3A_246 = arith.addf %scan3A_192, %get3A_245 : vector<16xf32>
        %add3A_247 = arith.constant 100 : i32
        %add3A_248 = arith.addi %scan3A_188, %add3A_247 : i32
        %get3A_249 = arith.constant 1 : i32
        %get3A_250 = arith.index_cast %get3A_249 : i32 to index
        %get3A_251 = arith.index_cast %add3A_248 : i32 to index
        %get3A_252 = arith.constant 48 : index
        %get3A_253 = tpu.vector_load %arg6[%get3A_250, %get3A_251, %get3A_252] {strides = array<i32>} : memref<2x200x64xf32, #tpu.memory_space<vmem>>, vector<1x1x16xf32>,
        %get3A_254 = vector.shape_cast %get3A_253 : vector<1x1x16xf32> to vector<16xf32>
        %add3A_255 = arith.addf %add3A_246, %get3A_254 : vector<16xf32>
        %scan3A_256 = arith.constant 1 : i32
        %scan3A_257 = arith.addi %scan3A_188, %scan3A_256 : i32
        %get3A_258 = arith.constant 1 : i32
        %get3A_259 = arith.index_cast %get3A_258 : i32 to index
        %get3A_260 = arith.index_cast %scan3A_257 : i32 to index
        %get3A_261 = arith.constant 0 : index
        %get3A_262 = tpu.vector_load %arg6[%get3A_259, %get3A_260, %get3A_261] {strides = array<i32>} : memref<2x200x64xf32, #tpu.memory_space<vmem>>, vector<1x1x16xf32>,
        %get3A_263 = vector.shape_cast %get3A_262 : vector<1x1x16xf32> to vector<16xf32>
        %add3A_264 = arith.addf %add3A_207, %get3A_263 : vector<16xf32>
        %add3A_265 = arith.constant 100 : i32
        %add3A_266 = arith.addi %scan3A_257, %add3A_265 : i32
        %get3A_267 = arith.constant 1 : i32
        %get3A_268 = arith.index_cast %get3A_267 : i32 to index
        %get3A_269 = arith.index_cast %add3A_266 : i32 to index
        %get3A_270 = arith.constant 0 : index
        %get3A_271 = tpu.vector_load %arg6[%get3A_268, %get3A_269, %get3A_270] {strides = array<i32>} : memref<2x200x64xf32, #tpu.memory_space<vmem>>, vector<1x1x16xf32>,
        %get3A_272 = vector.shape_cast %get3A_271 : vector<1x1x16xf32> to vector<16xf32>
        %add3A_273 = arith.addf %add3A_264, %get3A_272 : vector<16xf32>
        %get3A_274 = arith.constant 1 : i32
        %get3A_275 = arith.index_cast %get3A_274 : i32 to index
        %get3A_276 = arith.index_cast %scan3A_257 : i32 to index
        %get3A_277 = arith.constant 16 : index
        %get3A_278 = tpu.vector_load %arg6[%get3A_275, %get3A_276, %get3A_277] {strides = array<i32>} : memref<2x200x64xf32, #tpu.memory_space<vmem>>, vector<1x1x16xf32>,
        %get3A_279 = vector.shape_cast %get3A_278 : vector<1x1x16xf32> to vector<16xf32>
        %add3A_280 = arith.addf %add3A_223, %get3A_279 : vector<16xf32>
        %add3A_281 = arith.constant 100 : i32
        %add3A_282 = arith.addi %scan3A_257, %add3A_281 : i32
        %get3A_283 = arith.constant 1 : i32
        %get3A_284 = arith.index_cast %get3A_283 : i32 to index
        %get3A_285 = arith.index_cast %add3A_282 : i32 to index
        %get3A_286 = arith.constant 16 : index
        %get3A_287 = tpu.vector_load %arg6[%get3A_284, %get3A_285, %get3A_286] {strides = array<i32>} : memref<2x200x64xf32, #tpu.memory_space<vmem>>, vector<1x1x16xf32>,
        %get3A_288 = vector.shape_cast %get3A_287 : vector<1x1x16xf32> to vector<16xf32>
        %add3A_289 = arith.addf %add3A_280, %get3A_288 : vector<16xf32>
        %get3A_290 = arith.constant 1 : i32
        %get3A_291 = arith.index_cast %get3A_290 : i32 to index
        %get3A_292 = arith.index_cast %scan3A_257 : i32 to index
        %get3A_293 = arith.constant 32 : index
        %get3A_294 = tpu.vector_load %arg6[%get3A_291, %get3A_292, %get3A_293] {strides = array<i32>} : memref<2x200x64xf32, #tpu.memory_space<vmem>>, vector<1x1x16xf32>,
        %get3A_295 = vector.shape_cast %get3A_294 : vector<1x1x16xf32> to vector<16xf32>
        %add3A_296 = arith.addf %add3A_239, %get3A_295 : vector<16xf32>
        %add3A_297 = arith.constant 100 : i32
        %add3A_298 = arith.addi %scan3A_257, %add3A_297 : i32
        %get3A_299 = arith.constant 1 : i32
        %get3A_300 = arith.index_cast %get3A_299 : i32 to index
        %get3A_301 = arith.index_cast %add3A_298 : i32 to index
        %get3A_302 = arith.constant 32 : index
        %get3A_303 = tpu.vector_load %arg6[%get3A_300, %get3A_301, %get3A_302] {strides = array<i32>} : memref<2x200x64xf32, #tpu.memory_space<vmem>>, vector<1x1x16xf32>,
        %get3A_304 = vector.shape_cast %get3A_303 : vector<1x1x16xf32> to vector<16xf32>
        %add3A_305 = arith.addf %add3A_296, %get3A_304 : vector<16xf32>
        %get3A_306 = arith.constant 1 : i32
        %get3A_307 = arith.index_cast %get3A_306 : i32 to index
        %get3A_308 = arith.index_cast %scan3A_257 : i32 to index
        %get3A_309 = arith.constant 48 : index
        %get3A_310 = tpu.vector_load %arg6[%get3A_307, %get3A_308, %get3A_309] {strides = array<i32>} : memref<2x200x64xf32, #tpu.memory_space<vmem>>, vector<1x1x16xf32>,
        %get3A_311 = vector.shape_cast %get3A_310 : vector<1x1x16xf32> to vector<16xf32>
        %add3A_312 = arith.addf %add3A_255, %get3A_311 : vector<16xf32>
        %add3A_313 = arith.constant 100 : i32
        %add3A_314 = arith.addi %scan3A_257, %add3A_313 : i32
        %get3A_315 = arith.constant 1 : i32
        %get3A_316 = arith.index_cast %get3A_315 : i32 to index
        %get3A_317 = arith.index_cast %add3A_314 : i32 to index
        %get3A_318 = arith.constant 48 : index
        %get3A_319 = tpu.vector_load %arg6[%get3A_316, %get3A_317, %get3A_318] {strides = array<i32>} : memref<2x200x64xf32, #tpu.memory_space<vmem>>, vector<1x1x16xf32>,
        %get3A_320 = vector.shape_cast %get3A_319 : vector<1x1x16xf32> to vector<16xf32>
        %add3A_321 = arith.addf %add3A_312, %get3A_320 : vector<16xf32>
        %scan3A_322 = arith.constant 2 : i32
        %scan3A_323 = arith.addi %scan3A_188, %scan3A_322 : i32
        %get3A_324 = arith.constant 1 : i32
        %get3A_325 = arith.index_cast %get3A_324 : i32 to index
        %get3A_326 = arith.index_cast %scan3A_323 : i32 to index
        %get3A_327 = arith.constant 0 : index
        %get3A_328 = tpu.vector_load %arg6[%get3A_325, %get3A_326, %get3A_327] {strides = array<i32>} : memref<2x200x64xf32, #tpu.memory_space<vmem>>, vector<1x1x16xf32>,
        %get3A_329 = vector.shape_cast %get3A_328 : vector<1x1x16xf32> to vector<16xf32>
        %add3A_330 = arith.addf %add3A_273, %get3A_329 : vector<16xf32>
        %add3A_331 = arith.constant 100 : i32
        %add3A_332 = arith.addi %scan3A_323, %add3A_331 : i32
        %get3A_333 = arith.constant 1 : i32
        %get3A_334 = arith.index_cast %get3A_333 : i32 to index
        %get3A_335 = arith.index_cast %add3A_332 : i32 to index
        %get3A_336 = arith.constant 0 : index
        %get3A_337 = tpu.vector_load %arg6[%get3A_334, %get3A_335, %get3A_336] {strides = array<i32>} : memref<2x200x64xf32, #tpu.memory_space<vmem>>, vector<1x1x16xf32>,
        %get3A_338 = vector.shape_cast %get3A_337 : vector<1x1x16xf32> to vector<16xf32>
        %add3A_339 = arith.addf %add3A_330, %get3A_338 : vector<16xf32>
        %get3A_340 = arith.constant 1 : i32
        %get3A_341 = arith.index_cast %get3A_340 : i32 to index
        %get3A_342 = arith.index_cast %scan3A_323 : i32 to index
        %get3A_343 = arith.constant 16 : index
        %get3A_344 = tpu.vector_load %arg6[%get3A_341, %get3A_342, %get3A_343] {strides = array<i32>} : memref<2x200x64xf32, #tpu.memory_space<vmem>>, vector<1x1x16xf32>,
        %get3A_345 = vector.shape_cast %get3A_344 : vector<1x1x16xf32> to vector<16xf32>
        %add3A_346 = arith.addf %add3A_289, %get3A_345 : vector<16xf32>
        %add3A_347 = arith.constant 100 : i32
        %add3A_348 = arith.addi %scan3A_323, %add3A_347 : i32
        %get3A_349 = arith.constant 1 : i32
        %get3A_350 = arith.index_cast %get3A_349 : i32 to index
        %get3A_351 = arith.index_cast %add3A_348 : i32 to index
        %get3A_352 = arith.constant 16 : index
        %get3A_353 = tpu.vector_load %arg6[%get3A_350, %get3A_351, %get3A_352] {strides = array<i32>} : memref<2x200x64xf32, #tpu.memory_space<vmem>>, vector<1x1x16xf32>,
        %get3A_354 = vector.shape_cast %get3A_353 : vector<1x1x16xf32> to vector<16xf32>
        %add3A_355 = arith.addf %add3A_346, %get3A_354 : vector<16xf32>
        %get3A_356 = arith.constant 1 : i32
        %get3A_357 = arith.index_cast %get3A_356 : i32 to index
        %get3A_358 = arith.index_cast %scan3A_323 : i32 to index
        %get3A_359 = arith.constant 32 : index
        %get3A_360 = tpu.vector_load %arg6[%get3A_357, %get3A_358, %get3A_359] {strides = array<i32>} : memref<2x200x64xf32, #tpu.memory_space<vmem>>, vector<1x1x16xf32>,
        %get3A_361 = vector.shape_cast %get3A_360 : vector<1x1x16xf32> to vector<16xf32>
        %add3A_362 = arith.addf %add3A_305, %get3A_361 : vector<16xf32>
        %add3A_363 = arith.constant 100 : i32
        %add3A_364 = arith.addi %scan3A_323, %add3A_363 : i32
        %get3A_365 = arith.constant 1 : i32
        %get3A_366 = arith.index_cast %get3A_365 : i32 to index
        %get3A_367 = arith.index_cast %add3A_364 : i32 to index
        %get3A_368 = arith.constant 32 : index
        %get3A_369 = tpu.vector_load %arg6[%get3A_366, %get3A_367, %get3A_368] {strides = array<i32>} : memref<2x200x64xf32, #tpu.memory_space<vmem>>, vector<1x1x16xf32>,
        %get3A_370 = vector.shape_cast %get3A_369 : vector<1x1x16xf32> to vector<16xf32>
        %add3A_371 = arith.addf %add3A_362, %get3A_370 : vector<16xf32>
        %get3A_372 = arith.constant 1 : i32
        %get3A_373 = arith.index_cast %get3A_372 : i32 to index
        %get3A_374 = arith.index_cast %scan3A_323 : i32 to index
        %get3A_375 = arith.constant 48 : index
        %get3A_376 = tpu.vector_load %arg6[%get3A_373, %get3A_374, %get3A_375] {strides = array<i32>} : memref<2x200x64xf32, #tpu.memory_space<vmem>>, vector<1x1x16xf32>,
        %get3A_377 = vector.shape_cast %get3A_376 : vector<1x1x16xf32> to vector<16xf32>
        %add3A_378 = arith.addf %add3A_321, %get3A_377 : vector<16xf32>
        %add3A_379 = arith.constant 100 : i32
        %add3A_380 = arith.addi %scan3A_323, %add3A_379 : i32
        %get3A_381 = arith.constant 1 : i32
        %get3A_382 = arith.index_cast %get3A_381 : i32 to index
        %get3A_383 = arith.index_cast %add3A_380 : i32 to index
        %get3A_384 = arith.constant 48 : index
        %get3A_385 = tpu.vector_load %arg6[%get3A_382, %get3A_383, %get3A_384] {strides = array<i32>} : memref<2x200x64xf32, #tpu.memory_space<vmem>>, vector<1x1x16xf32>,
        %get3A_386 = vector.shape_cast %get3A_385 : vector<1x1x16xf32> to vector<16xf32>
        %add3A_387 = arith.addf %add3A_378, %get3A_386 : vector<16xf32>
        %scan3A_388 = arith.constant 3 : i32
        %scan3A_389 = arith.addi %scan3A_188, %scan3A_388 : i32
        %get3A_390 = arith.constant 1 : i32
        %get3A_391 = arith.index_cast %get3A_390 : i32 to index
        %get3A_392 = arith.index_cast %scan3A_389 : i32 to index
        %get3A_393 = arith.constant 0 : index
        %get3A_394 = tpu.vector_load %arg6[%get3A_391, %get3A_392, %get3A_393] {strides = array<i32>} : memref<2x200x64xf32, #tpu.memory_space<vmem>>, vector<1x1x16xf32>,
        %get3A_395 = vector.shape_cast %get3A_394 : vector<1x1x16xf32> to vector<16xf32>
        %add3A_396 = arith.addf %add3A_339, %get3A_395 : vector<16xf32>
        %add3A_397 = arith.constant 100 : i32
        %add3A_398 = arith.addi %scan3A_389, %add3A_397 : i32
        %get3A_399 = arith.constant 1 : i32
        %get3A_400 = arith.index_cast %get3A_399 : i32 to index
        %get3A_401 = arith.index_cast %add3A_398 : i32 to index
        %get3A_402 = arith.constant 0 : index
        %get3A_403 = tpu.vector_load %arg6[%get3A_400, %get3A_401, %get3A_402] {strides = array<i32>} : memref<2x200x64xf32, #tpu.memory_space<vmem>>, vector<1x1x16xf32>,
        %get3A_404 = vector.shape_cast %get3A_403 : vector<1x1x16xf32> to vector<16xf32>
        %add3A_405 = arith.addf %add3A_396, %get3A_404 : vector<16xf32>
        %get3A_406 = arith.constant 1 : i32
        %get3A_407 = arith.index_cast %get3A_406 : i32 to index
        %get3A_408 = arith.index_cast %scan3A_389 : i32 to index
        %get3A_409 = arith.constant 16 : index
        %get3A_410 = tpu.vector_load %arg6[%get3A_407, %get3A_408, %get3A_409] {strides = array<i32>} : memref<2x200x64xf32, #tpu.memory_space<vmem>>, vector<1x1x16xf32>,
        %get3A_411 = vector.shape_cast %get3A_410 : vector<1x1x16xf32> to vector<16xf32>
        %add3A_412 = arith.addf %add3A_355, %get3A_411 : vector<16xf32>
        %add3A_413 = arith.constant 100 : i32
        %add3A_414 = arith.addi %scan3A_389, %add3A_413 : i32
        %get3A_415 = arith.constant 1 : i32
        %get3A_416 = arith.index_cast %get3A_415 : i32 to index
        %get3A_417 = arith.index_cast %add3A_414 : i32 to index
        %get3A_418 = arith.constant 16 : index
        %get3A_419 = tpu.vector_load %arg6[%get3A_416, %get3A_417, %get3A_418] {strides = array<i32>} : memref<2x200x64xf32, #tpu.memory_space<vmem>>, vector<1x1x16xf32>,
        %get3A_420 = vector.shape_cast %get3A_419 : vector<1x1x16xf32> to vector<16xf32>
        %add3A_421 = arith.addf %add3A_412, %get3A_420 : vector<16xf32>
        %get3A_422 = arith.constant 1 : i32
        %get3A_423 = arith.index_cast %get3A_422 : i32 to index
        %get3A_424 = arith.index_cast %scan3A_389 : i32 to index
        %get3A_425 = arith.constant 32 : index
        %get3A_426 = tpu.vector_load %arg6[%get3A_423, %get3A_424, %get3A_425] {strides = array<i32>} : memref<2x200x64xf32, #tpu.memory_space<vmem>>, vector<1x1x16xf32>,
        %get3A_427 = vector.shape_cast %get3A_426 : vector<1x1x16xf32> to vector<16xf32>
        %add3A_428 = arith.addf %add3A_371, %get3A_427 : vector<16xf32>
        %add3A_429 = arith.constant 100 : i32
        %add3A_430 = arith.addi %scan3A_389, %add3A_429 : i32
        %get3A_431 = arith.constant 1 : i32
        %get3A_432 = arith.index_cast %get3A_431 : i32 to index
        %get3A_433 = arith.index_cast %add3A_430 : i32 to index
        %get3A_434 = arith.constant 32 : index
        %get3A_435 = tpu.vector_load %arg6[%get3A_432, %get3A_433, %get3A_434] {strides = array<i32>} : memref<2x200x64xf32, #tpu.memory_space<vmem>>, vector<1x1x16xf32>,
        %get3A_436 = vector.shape_cast %get3A_435 : vector<1x1x16xf32> to vector<16xf32>
        %add3A_437 = arith.addf %add3A_428, %get3A_436 : vector<16xf32>
        %get3A_438 = arith.constant 1 : i32
        %get3A_439 = arith.index_cast %get3A_438 : i32 to index
        %get3A_440 = arith.index_cast %scan3A_389 : i32 to index
        %get3A_441 = arith.constant 48 : index
        %get3A_442 = tpu.vector_load %arg6[%get3A_439, %get3A_440, %get3A_441] {strides = array<i32>} : memref<2x200x64xf32, #tpu.memory_space<vmem>>, vector<1x1x16xf32>,
        %get3A_443 = vector.shape_cast %get3A_442 : vector<1x1x16xf32> to vector<16xf32>
        %add3A_444 = arith.addf %add3A_387, %get3A_443 : vector<16xf32>
        %add3A_445 = arith.constant 100 : i32
        %add3A_446 = arith.addi %scan3A_389, %add3A_445 : i32
        %get3A_447 = arith.constant 1 : i32
        %get3A_448 = arith.index_cast %get3A_447 : i32 to index
        %get3A_449 = arith.index_cast %add3A_446 : i32 to index
        %get3A_450 = arith.constant 48 : index
        %get3A_451 = tpu.vector_load %arg6[%get3A_448, %get3A_449, %get3A_450] {strides = array<i32>} : memref<2x200x64xf32, #tpu.memory_space<vmem>>, vector<1x1x16xf32>,
        %get3A_452 = vector.shape_cast %get3A_451 : vector<1x1x16xf32> to vector<16xf32>
        %add3A_453 = arith.addf %add3A_444, %get3A_452 : vector<16xf32>
        %scan3A_454 = arith.constant 4 : i32
        %scan3A_455 = arith.addi %scan3A_188, %scan3A_454 : i32
        %get3A_456 = arith.constant 1 : i32
        %get3A_457 = arith.index_cast %get3A_456 : i32 to index
        %get3A_458 = arith.index_cast %scan3A_455 : i32 to index
        %get3A_459 = arith.constant 0 : index
        %get3A_460 = tpu.vector_load %arg6[%get3A_457, %get3A_458, %get3A_459] {strides = array<i32>} : memref<2x200x64xf32, #tpu.memory_space<vmem>>, vector<1x1x16xf32>,
        %get3A_461 = vector.shape_cast %get3A_460 : vector<1x1x16xf32> to vector<16xf32>
        %add3A_462 = arith.addf %add3A_405, %get3A_461 : vector<16xf32>
        %add3A_463 = arith.constant 100 : i32
        %add3A_464 = arith.addi %scan3A_455, %add3A_463 : i32
        %get3A_465 = arith.constant 1 : i32
        %get3A_466 = arith.index_cast %get3A_465 : i32 to index
        %get3A_467 = arith.index_cast %add3A_464 : i32 to index
        %get3A_468 = arith.constant 0 : index
        %get3A_469 = tpu.vector_load %arg6[%get3A_466, %get3A_467, %get3A_468] {strides = array<i32>} : memref<2x200x64xf32, #tpu.memory_space<vmem>>, vector<1x1x16xf32>,
        %get3A_470 = vector.shape_cast %get3A_469 : vector<1x1x16xf32> to vector<16xf32>
        %add3A_471 = arith.addf %add3A_462, %get3A_470 : vector<16xf32>
        %get3A_472 = arith.constant 1 : i32
        %get3A_473 = arith.index_cast %get3A_472 : i32 to index
        %get3A_474 = arith.index_cast %scan3A_455 : i32 to index
        %get3A_475 = arith.constant 16 : index
        %get3A_476 = tpu.vector_load %arg6[%get3A_473, %get3A_474, %get3A_475] {strides = array<i32>} : memref<2x200x64xf32, #tpu.memory_space<vmem>>, vector<1x1x16xf32>,
        %get3A_477 = vector.shape_cast %get3A_476 : vector<1x1x16xf32> to vector<16xf32>
        %add3A_478 = arith.addf %add3A_421, %get3A_477 : vector<16xf32>
        %add3A_479 = arith.constant 100 : i32
        %add3A_480 = arith.addi %scan3A_455, %add3A_479 : i32
        %get3A_481 = arith.constant 1 : i32
        %get3A_482 = arith.index_cast %get3A_481 : i32 to index
        %get3A_483 = arith.index_cast %add3A_480 : i32 to index
        %get3A_484 = arith.constant 16 : index
        %get3A_485 = tpu.vector_load %arg6[%get3A_482, %get3A_483, %get3A_484] {strides = array<i32>} : memref<2x200x64xf32, #tpu.memory_space<vmem>>, vector<1x1x16xf32>,
        %get3A_486 = vector.shape_cast %get3A_485 : vector<1x1x16xf32> to vector<16xf32>
        %add3A_487 = arith.addf %add3A_478, %get3A_486 : vector<16xf32>
        %get3A_488 = arith.constant 1 : i32
        %get3A_489 = arith.index_cast %get3A_488 : i32 to index
        %get3A_490 = arith.index_cast %scan3A_455 : i32 to index
        %get3A_491 = arith.constant 32 : index
        %get3A_492 = tpu.vector_load %arg6[%get3A_489, %get3A_490, %get3A_491] {strides = array<i32>} : memref<2x200x64xf32, #tpu.memory_space<vmem>>, vector<1x1x16xf32>,
        %get3A_493 = vector.shape_cast %get3A_492 : vector<1x1x16xf32> to vector<16xf32>
        %add3A_494 = arith.addf %add3A_437, %get3A_493 : vector<16xf32>
        %add3A_495 = arith.constant 100 : i32
        %add3A_496 = arith.addi %scan3A_455, %add3A_495 : i32
        %get3A_497 = arith.constant 1 : i32
        %get3A_498 = arith.index_cast %get3A_497 : i32 to index
        %get3A_499 = arith.index_cast %add3A_496 : i32 to index
        %get3A_500 = arith.constant 32 : index
        %get3A_501 = tpu.vector_load %arg6[%get3A_498, %get3A_499, %get3A_500] {strides = array<i32>} : memref<2x200x64xf32, #tpu.memory_space<vmem>>, vector<1x1x16xf32>,
        %get3A_502 = vector.shape_cast %get3A_501 : vector<1x1x16xf32> to vector<16xf32>
        %add3A_503 = arith.addf %add3A_494, %get3A_502 : vector<16xf32>
        %get3A_504 = arith.constant 1 : i32
        %get3A_505 = arith.index_cast %get3A_504 : i32 to index
        %get3A_506 = arith.index_cast %scan3A_455 : i32 to index
        %get3A_507 = arith.constant 48 : index
        %get3A_508 = tpu.vector_load %arg6[%get3A_505, %get3A_506, %get3A_507] {strides = array<i32>} : memref<2x200x64xf32, #tpu.memory_space<vmem>>, vector<1x1x16xf32>,
        %get3A_509 = vector.shape_cast %get3A_508 : vector<1x1x16xf32> to vector<16xf32>
        %add3A_510 = arith.addf %add3A_453, %get3A_509 : vector<16xf32>
        %add3A_511 = arith.constant 100 : i32
        %add3A_512 = arith.addi %scan3A_455, %add3A_511 : i32
        %get3A_513 = arith.constant 1 : i32
        %get3A_514 = arith.index_cast %get3A_513 : i32 to index
        %get3A_515 = arith.index_cast %add3A_512 : i32 to index
        %get3A_516 = arith.constant 48 : index
        %get3A_517 = tpu.vector_load %arg6[%get3A_514, %get3A_515, %get3A_516] {strides = array<i32>} : memref<2x200x64xf32, #tpu.memory_space<vmem>>, vector<1x1x16xf32>,
        %get3A_518 = vector.shape_cast %get3A_517 : vector<1x1x16xf32> to vector<16xf32>
        %add3A_519 = arith.addf %add3A_510, %get3A_518 : vector<16xf32>
        %scan3A_520 = arith.constant 5 : i32
        %scan3A_521 = arith.addi %scan3A_188, %scan3A_520 : i32
        %get3A_522 = arith.constant 1 : i32
        %get3A_523 = arith.index_cast %get3A_522 : i32 to index
        %get3A_524 = arith.index_cast %scan3A_521 : i32 to index
        %get3A_525 = arith.constant 0 : index
        %get3A_526 = tpu.vector_load %arg6[%get3A_523, %get3A_524, %get3A_525] {strides = array<i32>} : memref<2x200x64xf32, #tpu.memory_space<vmem>>, vector<1x1x16xf32>,
        %get3A_527 = vector.shape_cast %get3A_526 : vector<1x1x16xf32> to vector<16xf32>
        %add3A_528 = arith.addf %add3A_471, %get3A_527 : vector<16xf32>
        %add3A_529 = arith.constant 100 : i32
        %add3A_530 = arith.addi %scan3A_521, %add3A_529 : i32
        %get3A_531 = arith.constant 1 : i32
        %get3A_532 = arith.index_cast %get3A_531 : i32 to index
        %get3A_533 = arith.index_cast %add3A_530 : i32 to index
        %get3A_534 = arith.constant 0 : index
        %get3A_535 = tpu.vector_load %arg6[%get3A_532, %get3A_533, %get3A_534] {strides = array<i32>} : memref<2x200x64xf32, #tpu.memory_space<vmem>>, vector<1x1x16xf32>,
        %get3A_536 = vector.shape_cast %get3A_535 : vector<1x1x16xf32> to vector<16xf32>
        %add3A_537 = arith.addf %add3A_528, %get3A_536 : vector<16xf32>
        %get3A_538 = arith.constant 1 : i32
        %get3A_539 = arith.index_cast %get3A_538 : i32 to index
        %get3A_540 = arith.index_cast %scan3A_521 : i32 to index
        %get3A_541 = arith.constant 16 : index
        %get3A_542 = tpu.vector_load %arg6[%get3A_539, %get3A_540, %get3A_541] {strides = array<i32>} : memref<2x200x64xf32, #tpu.memory_space<vmem>>, vector<1x1x16xf32>,
        %get3A_543 = vector.shape_cast %get3A_542 : vector<1x1x16xf32> to vector<16xf32>
        %add3A_544 = arith.addf %add3A_487, %get3A_543 : vector<16xf32>
        %add3A_545 = arith.constant 100 : i32
        %add3A_546 = arith.addi %scan3A_521, %add3A_545 : i32
        %get3A_547 = arith.constant 1 : i32
        %get3A_548 = arith.index_cast %get3A_547 : i32 to index
        %get3A_549 = arith.index_cast %add3A_546 : i32 to index
        %get3A_550 = arith.constant 16 : index
        %get3A_551 = tpu.vector_load %arg6[%get3A_548, %get3A_549, %get3A_550] {strides = array<i32>} : memref<2x200x64xf32, #tpu.memory_space<vmem>>, vector<1x1x16xf32>,
        %get3A_552 = vector.shape_cast %get3A_551 : vector<1x1x16xf32> to vector<16xf32>
        %add3A_553 = arith.addf %add3A_544, %get3A_552 : vector<16xf32>
        %get3A_554 = arith.constant 1 : i32
        %get3A_555 = arith.index_cast %get3A_554 : i32 to index
        %get3A_556 = arith.index_cast %scan3A_521 : i32 to index
        %get3A_557 = arith.constant 32 : index
        %get3A_558 = tpu.vector_load %arg6[%get3A_555, %get3A_556, %get3A_557] {strides = array<i32>} : memref<2x200x64xf32, #tpu.memory_space<vmem>>, vector<1x1x16xf32>,
        %get3A_559 = vector.shape_cast %get3A_558 : vector<1x1x16xf32> to vector<16xf32>
        %add3A_560 = arith.addf %add3A_503, %get3A_559 : vector<16xf32>
        %add3A_561 = arith.constant 100 : i32
        %add3A_562 = arith.addi %scan3A_521, %add3A_561 : i32
        %get3A_563 = arith.constant 1 : i32
        %get3A_564 = arith.index_cast %get3A_563 : i32 to index
        %get3A_565 = arith.index_cast %add3A_562 : i32 to index
        %get3A_566 = arith.constant 32 : index
        %get3A_567 = tpu.vector_load %arg6[%get3A_564, %get3A_565, %get3A_566] {strides = array<i32>} : memref<2x200x64xf32, #tpu.memory_space<vmem>>, vector<1x1x16xf32>,
        %get3A_568 = vector.shape_cast %get3A_567 : vector<1x1x16xf32> to vector<16xf32>
        %add3A_569 = arith.addf %add3A_560, %get3A_568 : vector<16xf32>
        %get3A_570 = arith.constant 1 : i32
        %get3A_571 = arith.index_cast %get3A_570 : i32 to index
        %get3A_572 = arith.index_cast %scan3A_521 : i32 to index
        %get3A_573 = arith.constant 48 : index
        %get3A_574 = tpu.vector_load %arg6[%get3A_571, %get3A_572, %get3A_573] {strides = array<i32>} : memref<2x200x64xf32, #tpu.memory_space<vmem>>, vector<1x1x16xf32>,
        %get3A_575 = vector.shape_cast %get3A_574 : vector<1x1x16xf32> to vector<16xf32>
        %add3A_576 = arith.addf %add3A_519, %get3A_575 : vector<16xf32>
        %add3A_577 = arith.constant 100 : i32
        %add3A_578 = arith.addi %scan3A_521, %add3A_577 : i32
        %get3A_579 = arith.constant 1 : i32
        %get3A_580 = arith.index_cast %get3A_579 : i32 to index
        %get3A_581 = arith.index_cast %add3A_578 : i32 to index
        %get3A_582 = arith.constant 48 : index
        %get3A_583 = tpu.vector_load %arg6[%get3A_580, %get3A_581, %get3A_582] {strides = array<i32>} : memref<2x200x64xf32, #tpu.memory_space<vmem>>, vector<1x1x16xf32>,
        %get3A_584 = vector.shape_cast %get3A_583 : vector<1x1x16xf32> to vector<16xf32>
        %add3A_585 = arith.addf %add3A_576, %get3A_584 : vector<16xf32>
        %scan3A_586 = arith.constant 6 : i32
        %scan3A_587 = arith.addi %scan3A_188, %scan3A_586 : i32
        %get3A_588 = arith.constant 1 : i32
        %get3A_589 = arith.index_cast %get3A_588 : i32 to index
        %get3A_590 = arith.index_cast %scan3A_587 : i32 to index
        %get3A_591 = arith.constant 0 : index
        %get3A_592 = tpu.vector_load %arg6[%get3A_589, %get3A_590, %get3A_591] {strides = array<i32>} : memref<2x200x64xf32, #tpu.memory_space<vmem>>, vector<1x1x16xf32>,
        %get3A_593 = vector.shape_cast %get3A_592 : vector<1x1x16xf32> to vector<16xf32>
        %add3A_594 = arith.addf %add3A_537, %get3A_593 : vector<16xf32>
        %add3A_595 = arith.constant 100 : i32
        %add3A_596 = arith.addi %scan3A_587, %add3A_595 : i32
        %get3A_597 = arith.constant 1 : i32
        %get3A_598 = arith.index_cast %get3A_597 : i32 to index
        %get3A_599 = arith.index_cast %add3A_596 : i32 to index
        %get3A_600 = arith.constant 0 : index
        %get3A_601 = tpu.vector_load %arg6[%get3A_598, %get3A_599, %get3A_600] {strides = array<i32>} : memref<2x200x64xf32, #tpu.memory_space<vmem>>, vector<1x1x16xf32>,
        %get3A_602 = vector.shape_cast %get3A_601 : vector<1x1x16xf32> to vector<16xf32>
        %add3A_603 = arith.addf %add3A_594, %get3A_602 : vector<16xf32>
        %get3A_604 = arith.constant 1 : i32
        %get3A_605 = arith.index_cast %get3A_604 : i32 to index
        %get3A_606 = arith.index_cast %scan3A_587 : i32 to index
        %get3A_607 = arith.constant 16 : index
        %get3A_608 = tpu.vector_load %arg6[%get3A_605, %get3A_606, %get3A_607] {strides = array<i32>} : memref<2x200x64xf32, #tpu.memory_space<vmem>>, vector<1x1x16xf32>,
        %get3A_609 = vector.shape_cast %get3A_608 : vector<1x1x16xf32> to vector<16xf32>
        %add3A_610 = arith.addf %add3A_553, %get3A_609 : vector<16xf32>
        %add3A_611 = arith.constant 100 : i32
        %add3A_612 = arith.addi %scan3A_587, %add3A_611 : i32
        %get3A_613 = arith.constant 1 : i32
        %get3A_614 = arith.index_cast %get3A_613 : i32 to index
        %get3A_615 = arith.index_cast %add3A_612 : i32 to index
        %get3A_616 = arith.constant 16 : index
        %get3A_617 = tpu.vector_load %arg6[%get3A_614, %get3A_615, %get3A_616] {strides = array<i32>} : memref<2x200x64xf32, #tpu.memory_space<vmem>>, vector<1x1x16xf32>,
        %get3A_618 = vector.shape_cast %get3A_617 : vector<1x1x16xf32> to vector<16xf32>
        %add3A_619 = arith.addf %add3A_610, %get3A_618 : vector<16xf32>
        %get3A_620 = arith.constant 1 : i32
        %get3A_621 = arith.index_cast %get3A_620 : i32 to index
        %get3A_622 = arith.index_cast %scan3A_587 : i32 to index
        %get3A_623 = arith.constant 32 : index
        %get3A_624 = tpu.vector_load %arg6[%get3A_621, %get3A_622, %get3A_623] {strides = array<i32>} : memref<2x200x64xf32, #tpu.memory_space<vmem>>, vector<1x1x16xf32>,
        %get3A_625 = vector.shape_cast %get3A_624 : vector<1x1x16xf32> to vector<16xf32>
        %add3A_626 = arith.addf %add3A_569, %get3A_625 : vector<16xf32>
        %add3A_627 = arith.constant 100 : i32
        %add3A_628 = arith.addi %scan3A_587, %add3A_627 : i32
        %get3A_629 = arith.constant 1 : i32
        %get3A_630 = arith.index_cast %get3A_629 : i32 to index
        %get3A_631 = arith.index_cast %add3A_628 : i32 to index
        %get3A_632 = arith.constant 32 : index
        %get3A_633 = tpu.vector_load %arg6[%get3A_630, %get3A_631, %get3A_632] {strides = array<i32>} : memref<2x200x64xf32, #tpu.memory_space<vmem>>, vector<1x1x16xf32>,
        %get3A_634 = vector.shape_cast %get3A_633 : vector<1x1x16xf32> to vector<16xf32>
        %add3A_635 = arith.addf %add3A_626, %get3A_634 : vector<16xf32>
        %get3A_636 = arith.constant 1 : i32
        %get3A_637 = arith.index_cast %get3A_636 : i32 to index
        %get3A_638 = arith.index_cast %scan3A_587 : i32 to index
        %get3A_639 = arith.constant 48 : index
        %get3A_640 = tpu.vector_load %arg6[%get3A_637, %get3A_638, %get3A_639] {strides = array<i32>} : memref<2x200x64xf32, #tpu.memory_space<vmem>>, vector<1x1x16xf32>,
        %get3A_641 = vector.shape_cast %get3A_640 : vector<1x1x16xf32> to vector<16xf32>
        %add3A_642 = arith.addf %add3A_585, %get3A_641 : vector<16xf32>
        %add3A_643 = arith.constant 100 : i32
        %add3A_644 = arith.addi %scan3A_587, %add3A_643 : i32
        %get3A_645 = arith.constant 1 : i32
        %get3A_646 = arith.index_cast %get3A_645 : i32 to index
        %get3A_647 = arith.index_cast %add3A_644 : i32 to index
        %get3A_648 = arith.constant 48 : index
        %get3A_649 = tpu.vector_load %arg6[%get3A_646, %get3A_647, %get3A_648] {strides = array<i32>} : memref<2x200x64xf32, #tpu.memory_space<vmem>>, vector<1x1x16xf32>,
        %get3A_650 = vector.shape_cast %get3A_649 : vector<1x1x16xf32> to vector<16xf32>
        %add3A_651 = arith.addf %add3A_642, %get3A_650 : vector<16xf32>
        %scan3A_652 = arith.constant 7 : i32
        %scan3A_653 = arith.addi %scan3A_188, %scan3A_652 : i32
        %get3A_654 = arith.constant 1 : i32
        %get3A_655 = arith.index_cast %get3A_654 : i32 to index
        %get3A_656 = arith.index_cast %scan3A_653 : i32 to index
        %get3A_657 = arith.constant 0 : index
        %get3A_658 = tpu.vector_load %arg6[%get3A_655, %get3A_656, %get3A_657] {strides = array<i32>} : memref<2x200x64xf32, #tpu.memory_space<vmem>>, vector<1x1x16xf32>,
        %get3A_659 = vector.shape_cast %get3A_658 : vector<1x1x16xf32> to vector<16xf32>
        %add3A_660 = arith.addf %add3A_603, %get3A_659 : vector<16xf32>
        %add3A_661 = arith.constant 100 : i32
        %add3A_662 = arith.addi %scan3A_653, %add3A_661 : i32
        %get3A_663 = arith.constant 1 : i32
        %get3A_664 = arith.index_cast %get3A_663 : i32 to index
        %get3A_665 = arith.index_cast %add3A_662 : i32 to index
        %get3A_666 = arith.constant 0 : index
        %get3A_667 = tpu.vector_load %arg6[%get3A_664, %get3A_665, %get3A_666] {strides = array<i32>} : memref<2x200x64xf32, #tpu.memory_space<vmem>>, vector<1x1x16xf32>,
        %get3A_668 = vector.shape_cast %get3A_667 : vector<1x1x16xf32> to vector<16xf32>
        %add3A_669 = arith.addf %add3A_660, %get3A_668 : vector<16xf32>
        %get3A_670 = arith.constant 1 : i32
        %get3A_671 = arith.index_cast %get3A_670 : i32 to index
        %get3A_672 = arith.index_cast %scan3A_653 : i32 to index
        %get3A_673 = arith.constant 16 : index
        %get3A_674 = tpu.vector_load %arg6[%get3A_671, %get3A_672, %get3A_673] {strides = array<i32>} : memref<2x200x64xf32, #tpu.memory_space<vmem>>, vector<1x1x16xf32>,
        %get3A_675 = vector.shape_cast %get3A_674 : vector<1x1x16xf32> to vector<16xf32>
        %add3A_676 = arith.addf %add3A_619, %get3A_675 : vector<16xf32>
        %add3A_677 = arith.constant 100 : i32
        %add3A_678 = arith.addi %scan3A_653, %add3A_677 : i32
        %get3A_679 = arith.constant 1 : i32
        %get3A_680 = arith.index_cast %get3A_679 : i32 to index
        %get3A_681 = arith.index_cast %add3A_678 : i32 to index
        %get3A_682 = arith.constant 16 : index
        %get3A_683 = tpu.vector_load %arg6[%get3A_680, %get3A_681, %get3A_682] {strides = array<i32>} : memref<2x200x64xf32, #tpu.memory_space<vmem>>, vector<1x1x16xf32>,
        %get3A_684 = vector.shape_cast %get3A_683 : vector<1x1x16xf32> to vector<16xf32>
        %add3A_685 = arith.addf %add3A_676, %get3A_684 : vector<16xf32>
        %get3A_686 = arith.constant 1 : i32
        %get3A_687 = arith.index_cast %get3A_686 : i32 to index
        %get3A_688 = arith.index_cast %scan3A_653 : i32 to index
        %get3A_689 = arith.constant 32 : index
        %get3A_690 = tpu.vector_load %arg6[%get3A_687, %get3A_688, %get3A_689] {strides = array<i32>} : memref<2x200x64xf32, #tpu.memory_space<vmem>>, vector<1x1x16xf32>,
        %get3A_691 = vector.shape_cast %get3A_690 : vector<1x1x16xf32> to vector<16xf32>
        %add3A_692 = arith.addf %add3A_635, %get3A_691 : vector<16xf32>
        %add3A_693 = arith.constant 100 : i32
        %add3A_694 = arith.addi %scan3A_653, %add3A_693 : i32
        %get3A_695 = arith.constant 1 : i32
        %get3A_696 = arith.index_cast %get3A_695 : i32 to index
        %get3A_697 = arith.index_cast %add3A_694 : i32 to index
        %get3A_698 = arith.constant 32 : index
        %get3A_699 = tpu.vector_load %arg6[%get3A_696, %get3A_697, %get3A_698] {strides = array<i32>} : memref<2x200x64xf32, #tpu.memory_space<vmem>>, vector<1x1x16xf32>,
        %get3A_700 = vector.shape_cast %get3A_699 : vector<1x1x16xf32> to vector<16xf32>
        %add3A_701 = arith.addf %add3A_692, %get3A_700 : vector<16xf32>
        %get3A_702 = arith.constant 1 : i32
        %get3A_703 = arith.index_cast %get3A_702 : i32 to index
        %get3A_704 = arith.index_cast %scan3A_653 : i32 to index
        %get3A_705 = arith.constant 48 : index
        %get3A_706 = tpu.vector_load %arg6[%get3A_703, %get3A_704, %get3A_705] {strides = array<i32>} : memref<2x200x64xf32, #tpu.memory_space<vmem>>, vector<1x1x16xf32>,
        %get3A_707 = vector.shape_cast %get3A_706 : vector<1x1x16xf32> to vector<16xf32>
        %add3A_708 = arith.addf %add3A_651, %get3A_707 : vector<16xf32>
        %add3A_709 = arith.constant 100 : i32
        %add3A_710 = arith.addi %scan3A_653, %add3A_709 : i32
        %get3A_711 = arith.constant 1 : i32
        %get3A_712 = arith.index_cast %get3A_711 : i32 to index
        %get3A_713 = arith.index_cast %add3A_710 : i32 to index
        %get3A_714 = arith.constant 48 : index
        %get3A_715 = tpu.vector_load %arg6[%get3A_712, %get3A_713, %get3A_714] {strides = array<i32>} : memref<2x200x64xf32, #tpu.memory_space<vmem>>, vector<1x1x16xf32>,
        %get3A_716 = vector.shape_cast %get3A_715 : vector<1x1x16xf32> to vector<16xf32>
        %add3A_717 = arith.addf %add3A_708, %get3A_716 : vector<16xf32>
        %scan3A_718 = arith.constant 8 : i32
        %scan3A_719 = arith.addi %scan3A_188, %scan3A_718 : i32
        %get3A_720 = arith.constant 1 : i32
        %get3A_721 = arith.index_cast %get3A_720 : i32 to index
        %get3A_722 = arith.index_cast %scan3A_719 : i32 to index
        %get3A_723 = arith.constant 0 : index
        %get3A_724 = tpu.vector_load %arg6[%get3A_721, %get3A_722, %get3A_723] {strides = array<i32>} : memref<2x200x64xf32, #tpu.memory_space<vmem>>, vector<1x1x16xf32>,
        %get3A_725 = vector.shape_cast %get3A_724 : vector<1x1x16xf32> to vector<16xf32>
        %add3A_726 = arith.addf %add3A_669, %get3A_725 : vector<16xf32>
        %add3A_727 = arith.constant 100 : i32
        %add3A_728 = arith.addi %scan3A_719, %add3A_727 : i32
        %get3A_729 = arith.constant 1 : i32
        %get3A_730 = arith.index_cast %get3A_729 : i32 to index
        %get3A_731 = arith.index_cast %add3A_728 : i32 to index
        %get3A_732 = arith.constant 0 : index
        %get3A_733 = tpu.vector_load %arg6[%get3A_730, %get3A_731, %get3A_732] {strides = array<i32>} : memref<2x200x64xf32, #tpu.memory_space<vmem>>, vector<1x1x16xf32>,
        %get3A_734 = vector.shape_cast %get3A_733 : vector<1x1x16xf32> to vector<16xf32>
        %add3A_735 = arith.addf %add3A_726, %get3A_734 : vector<16xf32>
        %get3A_736 = arith.constant 1 : i32
        %get3A_737 = arith.index_cast %get3A_736 : i32 to index
        %get3A_738 = arith.index_cast %scan3A_719 : i32 to index
        %get3A_739 = arith.constant 16 : index
        %get3A_740 = tpu.vector_load %arg6[%get3A_737, %get3A_738, %get3A_739] {strides = array<i32>} : memref<2x200x64xf32, #tpu.memory_space<vmem>>, vector<1x1x16xf32>,
        %get3A_741 = vector.shape_cast %get3A_740 : vector<1x1x16xf32> to vector<16xf32>
        %add3A_742 = arith.addf %add3A_685, %get3A_741 : vector<16xf32>
        %add3A_743 = arith.constant 100 : i32
        %add3A_744 = arith.addi %scan3A_719, %add3A_743 : i32
        %get3A_745 = arith.constant 1 : i32
        %get3A_746 = arith.index_cast %get3A_745 : i32 to index
        %get3A_747 = arith.index_cast %add3A_744 : i32 to index
        %get3A_748 = arith.constant 16 : index
        %get3A_749 = tpu.vector_load %arg6[%get3A_746, %get3A_747, %get3A_748] {strides = array<i32>} : memref<2x200x64xf32, #tpu.memory_space<vmem>>, vector<1x1x16xf32>,
        %get3A_750 = vector.shape_cast %get3A_749 : vector<1x1x16xf32> to vector<16xf32>
        %add3A_751 = arith.addf %add3A_742, %get3A_750 : vector<16xf32>
        %get3A_752 = arith.constant 1 : i32
        %get3A_753 = arith.index_cast %get3A_752 : i32 to index
        %get3A_754 = arith.index_cast %scan3A_719 : i32 to index
        %get3A_755 = arith.constant 32 : index
        %get3A_756 = tpu.vector_load %arg6[%get3A_753, %get3A_754, %get3A_755] {strides = array<i32>} : memref<2x200x64xf32, #tpu.memory_space<vmem>>, vector<1x1x16xf32>,
        %get3A_757 = vector.shape_cast %get3A_756 : vector<1x1x16xf32> to vector<16xf32>
        %add3A_758 = arith.addf %add3A_701, %get3A_757 : vector<16xf32>
        %add3A_759 = arith.constant 100 : i32
        %add3A_760 = arith.addi %scan3A_719, %add3A_759 : i32
        %get3A_761 = arith.constant 1 : i32
        %get3A_762 = arith.index_cast %get3A_761 : i32 to index
        %get3A_763 = arith.index_cast %add3A_760 : i32 to index
        %get3A_764 = arith.constant 32 : index
        %get3A_765 = tpu.vector_load %arg6[%get3A_762, %get3A_763, %get3A_764] {strides = array<i32>} : memref<2x200x64xf32, #tpu.memory_space<vmem>>, vector<1x1x16xf32>,
        %get3A_766 = vector.shape_cast %get3A_765 : vector<1x1x16xf32> to vector<16xf32>
        %add3A_767 = arith.addf %add3A_758, %get3A_766 : vector<16xf32>
        %get3A_768 = arith.constant 1 : i32
        %get3A_769 = arith.index_cast %get3A_768 : i32 to index
        %get3A_770 = arith.index_cast %scan3A_719 : i32 to index
        %get3A_771 = arith.constant 48 : index
        %get3A_772 = tpu.vector_load %arg6[%get3A_769, %get3A_770, %get3A_771] {strides = array<i32>} : memref<2x200x64xf32, #tpu.memory_space<vmem>>, vector<1x1x16xf32>,
        %get3A_773 = vector.shape_cast %get3A_772 : vector<1x1x16xf32> to vector<16xf32>
        %add3A_774 = arith.addf %add3A_717, %get3A_773 : vector<16xf32>
        %add3A_775 = arith.constant 100 : i32
        %add3A_776 = arith.addi %scan3A_719, %add3A_775 : i32
        %get3A_777 = arith.constant 1 : i32
        %get3A_778 = arith.index_cast %get3A_777 : i32 to index
        %get3A_779 = arith.index_cast %add3A_776 : i32 to index
        %get3A_780 = arith.constant 48 : index
        %get3A_781 = tpu.vector_load %arg6[%get3A_778, %get3A_779, %get3A_780] {strides = array<i32>} : memref<2x200x64xf32, #tpu.memory_space<vmem>>, vector<1x1x16xf32>,
        %get3A_782 = vector.shape_cast %get3A_781 : vector<1x1x16xf32> to vector<16xf32>
        %add3A_783 = arith.addf %add3A_774, %get3A_782 : vector<16xf32>
        %scan3A_784 = arith.constant 9 : i32
        %scan3A_785 = arith.addi %scan3A_188, %scan3A_784 : i32
        %get3A_786 = arith.constant 1 : i32
        %get3A_787 = arith.index_cast %get3A_786 : i32 to index
        %get3A_788 = arith.index_cast %scan3A_785 : i32 to index
        %get3A_789 = arith.constant 0 : index
        %get3A_790 = tpu.vector_load %arg6[%get3A_787, %get3A_788, %get3A_789] {strides = array<i32>} : memref<2x200x64xf32, #tpu.memory_space<vmem>>, vector<1x1x16xf32>,
        %get3A_791 = vector.shape_cast %get3A_790 : vector<1x1x16xf32> to vector<16xf32>
        %add3A_792 = arith.addf %add3A_735, %get3A_791 : vector<16xf32>
        %add3A_793 = arith.constant 100 : i32
        %add3A_794 = arith.addi %scan3A_785, %add3A_793 : i32
        %get3A_795 = arith.constant 1 : i32
        %get3A_796 = arith.index_cast %get3A_795 : i32 to index
        %get3A_797 = arith.index_cast %add3A_794 : i32 to index
        %get3A_798 = arith.constant 0 : index
        %get3A_799 = tpu.vector_load %arg6[%get3A_796, %get3A_797, %get3A_798] {strides = array<i32>} : memref<2x200x64xf32, #tpu.memory_space<vmem>>, vector<1x1x16xf32>,
        %get3A_800 = vector.shape_cast %get3A_799 : vector<1x1x16xf32> to vector<16xf32>
        %add3A_801 = arith.addf %add3A_792, %get3A_800 : vector<16xf32>
        %get3A_802 = arith.constant 1 : i32
        %get3A_803 = arith.index_cast %get3A_802 : i32 to index
        %get3A_804 = arith.index_cast %scan3A_785 : i32 to index
        %get3A_805 = arith.constant 16 : index
        %get3A_806 = tpu.vector_load %arg6[%get3A_803, %get3A_804, %get3A_805] {strides = array<i32>} : memref<2x200x64xf32, #tpu.memory_space<vmem>>, vector<1x1x16xf32>,
        %get3A_807 = vector.shape_cast %get3A_806 : vector<1x1x16xf32> to vector<16xf32>
        %add3A_808 = arith.addf %add3A_751, %get3A_807 : vector<16xf32>
        %add3A_809 = arith.constant 100 : i32
        %add3A_810 = arith.addi %scan3A_785, %add3A_809 : i32
        %get3A_811 = arith.constant 1 : i32
        %get3A_812 = arith.index_cast %get3A_811 : i32 to index
        %get3A_813 = arith.index_cast %add3A_810 : i32 to index
        %get3A_814 = arith.constant 16 : index
        %get3A_815 = tpu.vector_load %arg6[%get3A_812, %get3A_813, %get3A_814] {strides = array<i32>} : memref<2x200x64xf32, #tpu.memory_space<vmem>>, vector<1x1x16xf32>,
        %get3A_816 = vector.shape_cast %get3A_815 : vector<1x1x16xf32> to vector<16xf32>
        %add3A_817 = arith.addf %add3A_808, %get3A_816 : vector<16xf32>
        %get3A_818 = arith.constant 1 : i32
        %get3A_819 = arith.index_cast %get3A_818 : i32 to index
        %get3A_820 = arith.index_cast %scan3A_785 : i32 to index
        %get3A_821 = arith.constant 32 : index
        %get3A_822 = tpu.vector_load %arg6[%get3A_819, %get3A_820, %get3A_821] {strides = array<i32>} : memref<2x200x64xf32, #tpu.memory_space<vmem>>, vector<1x1x16xf32>,
        %get3A_823 = vector.shape_cast %get3A_822 : vector<1x1x16xf32> to vector<16xf32>
        %add3A_824 = arith.addf %add3A_767, %get3A_823 : vector<16xf32>
        %add3A_825 = arith.constant 100 : i32
        %add3A_826 = arith.addi %scan3A_785, %add3A_825 : i32
        %get3A_827 = arith.constant 1 : i32
        %get3A_828 = arith.index_cast %get3A_827 : i32 to index
        %get3A_829 = arith.index_cast %add3A_826 : i32 to index
        %get3A_830 = arith.constant 32 : index
        %get3A_831 = tpu.vector_load %arg6[%get3A_828, %get3A_829, %get3A_830] {strides = array<i32>} : memref<2x200x64xf32, #tpu.memory_space<vmem>>, vector<1x1x16xf32>,
        %get3A_832 = vector.shape_cast %get3A_831 : vector<1x1x16xf32> to vector<16xf32>
        %add3A_833 = arith.addf %add3A_824, %get3A_832 : vector<16xf32>
        %get3A_834 = arith.constant 1 : i32
        %get3A_835 = arith.index_cast %get3A_834 : i32 to index
        %get3A_836 = arith.index_cast %scan3A_785 : i32 to index
        %get3A_837 = arith.constant 48 : index
        %get3A_838 = tpu.vector_load %arg6[%get3A_835, %get3A_836, %get3A_837] {strides = array<i32>} : memref<2x200x64xf32, #tpu.memory_space<vmem>>, vector<1x1x16xf32>,
        %get3A_839 = vector.shape_cast %get3A_838 : vector<1x1x16xf32> to vector<16xf32>
        %add3A_840 = arith.addf %add3A_783, %get3A_839 : vector<16xf32>
        %add3A_841 = arith.constant 100 : i32
        %add3A_842 = arith.addi %scan3A_785, %add3A_841 : i32
        %get3A_843 = arith.constant 1 : i32
        %get3A_844 = arith.index_cast %get3A_843 : i32 to index
        %get3A_845 = arith.index_cast %add3A_842 : i32 to index
        %get3A_846 = arith.constant 48 : index
        %get3A_847 = tpu.vector_load %arg6[%get3A_844, %get3A_845, %get3A_846] {strides = array<i32>} : memref<2x200x64xf32, #tpu.memory_space<vmem>>, vector<1x1x16xf32>,
        %get3A_848 = vector.shape_cast %get3A_847 : vector<1x1x16xf32> to vector<16xf32>
        %add3A_849 = arith.addf %add3A_840, %get3A_848 : vector<16xf32>
        scf.yield %add3A_801, %add3A_817, %add3A_833, %add3A_849 : vector<16xf32>, vector<16xf32>, vector<16xf32>, vector<16xf32>
      }
      %scan3A_154 = arith.constant 100 : i32
      %mul3A_155 = arith.constant 5.000000e-03 : f32
      %mul3A_156 = vector.broadcast %mul3A_155 : f32 to vector<16xf32>
      %mul3A_157 = arith.mulf %scan3A_153#0, %mul3A_156 : vector<16xf32>
      %swap3A_158 = arith.index_cast %add3A_146 : i32 to index
      %swap3A_159 = arith.constant 0 : index
      %swap3A_160 = tpu.vector_load %arg7[%swap3A_158, %swap3A_159] {strides = array<i32>} : memref<128x64xf32, #tpu.memory_space<vmem>>, vector<1x16xf32>,
      %swap3A_161 = vector.shape_cast %swap3A_160 : vector<1x16xf32> to vector<16xf32>
      %swap3A_162 = vector.shape_cast %mul3A_157 : vector<16xf32> to vector<1x16xf32>
      tpu.vector_store %arg7[%swap3A_158, %swap3A_159], %swap3A_162 {strides = array<i32>} : memref<128x64xf32, #tpu.memory_space<vmem>>, vector<1x16xf32>,
      %mul3A_163 = arith.constant 5.000000e-03 : f32
      %mul3A_164 = vector.broadcast %mul3A_163 : f32 to vector<16xf32>
      %mul3A_165 = arith.mulf %scan3A_153#1, %mul3A_164 : vector<16xf32>
      %swap3A_166 = arith.index_cast %add3A_146 : i32 to index
      %swap3A_167 = arith.constant 16 : index
      %swap3A_168 = tpu.vector_load %arg7[%swap3A_166, %swap3A_167] {strides = array<i32>} : memref<128x64xf32, #tpu.memory_space<vmem>>, vector<1x16xf32>,
      %swap3A_169 = vector.shape_cast %swap3A_168 : vector<1x16xf32> to vector<16xf32>
      %swap3A_170 = vector.shape_cast %mul3A_165 : vector<16xf32> to vector<1x16xf32>
      tpu.vector_store %arg7[%swap3A_166, %swap3A_167], %swap3A_170 {strides = array<i32>} : memref<128x64xf32, #tpu.memory_space<vmem>>, vector<1x16xf32>,
      %mul3A_171 = arith.constant 5.000000e-03 : f32
      %mul3A_172 = vector.broadcast %mul3A_171 : f32 to vector<16xf32>
      %mul3A_173 = arith.mulf %scan3A_153#2, %mul3A_172 : vector<16xf32>
      %swap3A_174 = arith.index_cast %add3A_146 : i32 to index
      %swap3A_175 = arith.constant 32 : index
      %swap3A_176 = tpu.vector_load %arg7[%swap3A_174, %swap3A_175] {strides = array<i32>} : memref<128x64xf32, #tpu.memory_space<vmem>>, vector<1x16xf32>,
      %swap3A_177 = vector.shape_cast %swap3A_176 : vector<1x16xf32> to vector<16xf32>
      %swap3A_178 = vector.shape_cast %mul3A_173 : vector<16xf32> to vector<1x16xf32>
      tpu.vector_store %arg7[%swap3A_174, %swap3A_175], %swap3A_178 {strides = array<i32>} : memref<128x64xf32, #tpu.memory_space<vmem>>, vector<1x16xf32>,
      %mul3A_179 = arith.constant 5.000000e-03 : f32
      %mul3A_180 = vector.broadcast %mul3A_179 : f32 to vector<16xf32>
      %mul3A_181 = arith.mulf %scan3A_153#3, %mul3A_180 : vector<16xf32>
      %swap3A_182 = arith.index_cast %add3A_146 : i32 to index
      %swap3A_183 = arith.constant 48 : index
      %swap3A_184 = tpu.vector_load %arg7[%swap3A_182, %swap3A_183] {strides = array<i32>} : memref<128x64xf32, #tpu.memory_space<vmem>>, vector<1x16xf32>,
      %swap3A_185 = vector.shape_cast %swap3A_184 : vector<1x16xf32> to vector<16xf32>
      %swap3A_186 = vector.shape_cast %mul3A_181 : vector<16xf32> to vector<1x16xf32>
      tpu.vector_store %arg7[%swap3A_182, %swap3A_183], %swap3A_186 {strides = array<i32>} : memref<128x64xf32, #tpu.memory_space<vmem>>, vector<1x16xf32>,
      %scan3A_187 = arith.constant 0 : i32
      scf.yield %scan3A_187 : i32
    }
    %scan3A_31 = arith.constant 64 : i32
    "tpu.region"() ({
      %run_scoped3A = tpu.sem_alloc : memref<!tpu.dma_semaphore, #tpu.memory_space<semaphore_mem>>
      %dma_start3A_32 = arith.constant 0 : i32
      %dma_start3A_33 = tpu.memref_slice %arg4[%mul3A_2, %dma_start3A_32] : memref<4096x64xf32, #tpu.memory_space<hbm>> -> memref<128x64xf32, #tpu.memory_space<hbm>>
      %dma_start3A_34 = arith.constant 0 : i32
      %dma_start3A_35 = tpu.memref_slice %arg4[%mul3A_2, %dma_start3A_34] : memref<4096x64xf32, #tpu.memory_space<hbm>> -> memref<128x64xf32, #tpu.memory_space<hbm>>
      tpu.enqueue_dma source(%arg7 : memref<128x64xf32, #tpu.memory_space<vmem>>) target(%dma_start3A_35 : memref<128x64xf32, #tpu.memory_space<hbm>>) target_semaphore(%run_scoped3A : memref<!tpu.dma_semaphore, #tpu.memory_space<semaphore_mem>>)
      %dma_wait3A = arith.constant 0 : i32
      %dma_wait3A_36 = tpu.memref_slice %arg4[%mul3A_2, %dma_wait3A] : memref<4096x64xf32, #tpu.memory_space<hbm>> -> memref<128x64xf32, #tpu.memory_space<hbm>>
      %dma_wait3A_37 = arith.constant 0 : i32
      %dma_wait3A_38 = tpu.memref_slice %arg4[%mul3A_2, %dma_wait3A_37] : memref<4096x64xf32, #tpu.memory_space<hbm>> -> memref<128x64xf32, #tpu.memory_space<hbm>>
      tpu.wait_dma2 semaphore(%run_scoped3A : memref<!tpu.dma_semaphore, #tpu.memory_space<semaphore_mem>>) src(%arg7 : memref<128x64xf32, #tpu.memory_space<vmem>>) dst(%dma_wait3A_38 : memref<128x64xf32, #tpu.memory_space<hbm>>)
      tpu.yield
    }) : () -> ()
    return
  }
}

module attributes {stable_mosaic.version = 14 : i64} {
  func.func @_mm_kernel(%arg0: memref<4096x64xf32, #tpu.memory_space<vmem>>, %arg1: memref<64x2xf32, #tpu.memory_space<vmem>>, %arg2: memref<1x2xf32, #tpu.memory_space<vmem>>, %arg3: memref<4096x2xf32, #tpu.memory_space<vmem>>) attributes {dimension_semantics = [], scalar_prefetch = 0 : i64, scratch_operands = 0 : i64, tpu.core_type = #tpu.core_type<tc>} {
    %get3A = arith.constant 0 : index
    %get3A_0 = arith.constant 0 : index
    %get3A_1 = vector.load %arg0[%get3A, %get3A_0] : memref<4096x64xf32, #tpu.memory_space<vmem>>, vector<4096x64xf32>
    %get3A_2 = arith.constant 0 : index
    %get3A_3 = arith.constant 0 : index
    %get3A_4 = vector.load %arg1[%get3A_2, %get3A_3] : memref<64x2xf32, #tpu.memory_space<vmem>>, vector<64x2xf32>
    %dot_general3A = arith.constant dense<0.000000e+00> : vector<4096x2xf32>
    %dot_general3A_5 = tpu.matmul %get3A_1, %get3A_4, %dot_general3A {dimension_numbers = #tpu.dot_dimension_numbers<[1], [0], [0], [1], [0, 0, 1, 1], [], []>, transpose_lhs_hint = false} : vector<4096x64xf32>, vector<64x2xf32>, vector<4096x2xf32> -> vector<4096x2xf32>
    %get3A_6 = arith.constant 0 : index
    %get3A_7 = arith.constant 0 : index
    %get3A_8 = vector.load %arg2[%get3A_6, %get3A_7] : memref<1x2xf32, #tpu.memory_space<vmem>>, vector<1x2xf32>
    %add3A = vector.broadcast %get3A_8 : vector<1x2xf32> to vector<4096x2xf32>
    %add3A_9 = arith.addf %dot_general3A_5, %add3A : vector<4096x2xf32>
    %swap3A = arith.constant 0 : index
    %swap3A_10 = arith.constant 0 : index
    %swap3A_11 = vector.load %arg3[%swap3A, %swap3A_10] : memref<4096x2xf32, #tpu.memory_space<vmem>>, vector<4096x2xf32>
    tpu.vector_store %arg3[%swap3A, %swap3A_10], %add3A_9 {strides = array<i32>} : memref<4096x2xf32, #tpu.memory_space<vmem>>, vector<4096x2xf32>,
    return
  }
}

</mosaic_0001>

<sc_bundles>
// kernel: kernel.4.cloned.1.call-start
scs
__scs_entry_jumppad:
0x0: {  	(pc) =	sbr.rel $0x88, $3  }
0x1: {  	(tag) =	ssettag $0x0;
	lr =	simm.s32 $0x1  }
0x2: {  	[smem:$0x3F9D] =	sst lr;
	_ =	strace $0xD0000000  }
0x3: {  	_ = 	snop  }
0x4: {  	_ = 	snop  }
0x5: {  	_ = 	snop  }
0x6: {  	_ = 	snop  }
0x7: {  	_ = 	snop  }
__scs_overlays_trampoline_lowered:
0x8: {  	[smem:$0x3FAC] =	sst s0  }
0x9: {  	[smem:$0x3FAD] =	sst s1  }
0xa: {  	[smem:$0x3FAE] =	sst s2  }
0xb: {  	[smem:$0x3FAF] =	sst s3  }
0xc: {  	[smem:$0x3FB0] =	sst s4  }
0xd: {  	[smem:$0x3FB1] =	sst s5  }
0xe: {  	[smem:$0x3FB2] =	sst s6  }
0xf: {  	[smem:$0x3FB3] =	sst s7  }
0x10: {  	[smem:$0x3FB4] =	sst s8  }
0x11: {  	[smem:$0x3FB5] =	sst s9;
	s0 =	simm.s32 @!p0 $0x0  }
0x12: {  	s1 =	sld [smem:$0x3F9B];
	s0 =	simm.s32 @p0 $0x1  }
0x13: {  	[smem:$0x3FB6] =	sst s0;
	s0 =	simm.s32 @!p1 $0x0  }
0x14: {  	s2 =	sld [smem:$0x3F9A];
	s0 =	simm.s32 @p1 $0x1  }
0x15: {  	[smem:$0x3FB7] =	sst s0;
	s0 =	simm.s32 @!p2 $0x0  }
0x16: {  	s3 =	sld [smem:$0x3FDB];
	s0 =	simm.s32 @p2 $0x1  }
0x17: {  	s4 =	simm.s32 $0x1BF5;
	[smem:$0x3FB9] =	sst s0  }
0x18: {  	s0 =	sld [smem:$0x3F9C];
	_ =	swait.ge [sflag:s4], $0x0  }
0x19: {  	s7 =	sld [smem:$0x3F9D]  }
0x1a: {  	s8 =	sadd.s32 $0xFFFFE003, lr  }
0x1b: {  	s9 =	sadd.s32 $0xFFFFFEF7, lr;
	s5 =	simm.s32 $0xFFFFFFFF;
	p2 =	slt.u32 s8, $0xFFFFF086  }
0x1c: {  	p1 =	slt.u32 s9, $0xF7A;
	s5 =	simm.s32 @!p2 $0x0  }
0x1d: {  	s5 =	simm.s32 @p1 $0x1;
	p0 =	seq.s32 s7, s2  }
0x1e: {  	s7 =	smul.u32 @!p0 $0xF7A, s2;
	p2 =	seq.s32 @!p0 s5, $0x0  }
0x1f: {  	s9 =	smul.u32 $0xF7A, s1;
	s8 =	simm.s32 @!p0 $0x1BF5;
	p2 =	por !p2, p0  }
0x20: {  	[sflag:s8] =	ssyncset.s32 @!p0 $0xFFFFF086;
	s6 =	sadd.s32 @!p0 s3, s7;
	s7 =	simm.s32 @!p0 $0x108  }
0x21: {  	s3 =	sadd.s32 s3, s9;
	s6 =	sadd.s32 @!p0 $0x88, s6;
	s7 =	simm.s32 @p2 $0x1082  }
0x22: {  	[simem:s7], [sflag:s8] =	dma.local @!p0 [hbm:s6], $0xF7A  }
0x23: {  	s9 =	sor.u32 $0xD0000000, s2;
	s6 =	simm.s32 $0x108;
	_ =	swait.ge @!p0 [sflag:s8], $0x0  }
0x24: {  	s3 =	sadd.s32 $0x88, s3;
	s6 =	simm.s32 @!p1 $0x1082;
	[sflag:s4] =	ssyncset.s32 $0xFFFFF086  }
0x25: {  	[simem:s6], [sflag:s4] =	dma.local [hbm:s3], $0xF7A  }
0x26: {  	[smem:$0x3F9D] =	sst s1;
	(tag) =	ssettag s2;
	_ =	strace s9  }
0x27: {  	s1 =	sld [smem:$0x3FAD]  }
0x28: {  	s2 =	sld [smem:$0x3FAE]  }
0x29: {  	s4 =	sld [smem:$0x3FB0]  }
0x2a: {  	p0 =	seq.s32 s5, $0x0;
	s5 =	sld [smem:$0x3FB1]  }
0x2b: {  	s6 =	sld [smem:$0x3FB2]  }
0x2c: {  	s7 =	sld [smem:$0x3FB3]  }
0x2d: {  	s3 =	simm.s32 $0x108;
	s8 =	sld [smem:$0x3FB4]  }
0x2e: {  	s3 =	simm.s32 @!p0 $0x1082;
	s9 =	sld [smem:$0x3FB5]  }
0x2f: {  	lr =	sadd.s32 s0, s3;
	s0 =	sld [smem:$0x3FAC]  }
0x30: {  	s3 =	sld [smem:$0x3FAF]  }
0x31: {  	[smem:$0x3FB8] =	sst s10  }
0x32: {  	s10 =	sld [smem:$0x3FB6];
	_ =	sdelay $0x3  }
0x33: {  	p0 =	seq.s32 s10, $0x1;
	s10 =	sld [smem:$0x3FB8];
	_ =	sdelay $0x3  }
0x34: {  	[smem:$0x3FB8] =	sst s10  }
0x35: {  	s10 =	sld [smem:$0x3FB7];
	_ =	sdelay $0x3  }
0x36: {  	p1 =	seq.s32 s10, $0x1;
	s10 =	sld [smem:$0x3FB8];
	_ =	sdelay $0x3  }
0x37: {  	[smem:$0x3FB8] =	sst s10  }
0x38: {  	s10 =	sld [smem:$0x3FB9]  }
0x39: {  	_ = 	snop;
	(pc) =	sbr.ind lr, $3  }
0x3a: {  	_ = 	snop  }
0x3b: {  	_ = 	snop  }
0x3c: {  	p2 =	seq.s32 s10, $0x1;
	s10 =	sld [smem:$0x3FB8]  }
0x3d: {  	_ =	shalt  }
0x3e: {  	_ =	shalt  }
0x3f: {  	_ =	shalt  }
0x40: {  	_ =	shalt  }
0x41: {  	_ =	shalt  }
0x42: {  	_ =	shalt  }
0x43: {  	_ =	shalt  }
0x44: {  	_ =	shalt  }
0x45: {  	_ =	shalt  }
0x46: {  	_ =	shalt  }
0x47: {  	_ =	shalt  }
0x48: {  	_ =	shalt  }
0x49: {  	_ =	shalt  }
0x4a: {  	_ =	shalt  }
0x4b: {  	_ =	shalt  }
0x4c: {  	_ =	shalt  }
0x4d: {  	_ =	shalt  }
0x4e: {  	_ =	shalt  }
0x4f: {  	_ =	shalt  }
0x50: {  	_ =	shalt  }
0x51: {  	_ =	shalt  }
0x52: {  	_ =	shalt  }
0x53: {  	_ =	shalt  }
0x54: {  	_ =	shalt  }
0x55: {  	_ =	shalt  }
0x56: {  	_ =	shalt  }
0x57: {  	_ =	shalt  }
0x58: {  	_ =	shalt  }
0x59: {  	_ =	shalt  }
0x5a: {  	_ =	shalt  }
0x5b: {  	_ =	shalt  }
0x5c: {  	_ =	shalt  }
0x5d: {  	_ =	shalt  }
0x5e: {  	_ =	shalt  }
0x5f: {  	_ =	shalt  }
0x60: {  	_ =	shalt  }
0x61: {  	_ =	shalt  }
0x62: {  	_ =	shalt  }
0x63: {  	_ =	shalt  }
0x64: {  	_ =	shalt  }
0x65: {  	_ =	shalt  }
0x66: {  	_ =	shalt  }
0x67: {  	_ =	shalt  }
0x68: {  	_ =	shalt  }
0x69: {  	_ =	shalt  }
0x6a: {  	_ =	shalt  }
0x6b: {  	_ =	shalt  }
0x6c: {  	_ =	shalt  }
0x6d: {  	_ =	shalt  }
0x6e: {  	_ =	shalt  }
0x6f: {  	_ =	shalt  }
0x70: {  	_ =	shalt  }
0x71: {  	_ =	shalt  }
0x72: {  	_ =	shalt  }
0x73: {  	_ =	shalt  }
0x74: {  	_ =	shalt  }
0x75: {  	_ =	shalt  }
0x76: {  	_ =	shalt  }
0x77: {  	_ =	shalt  }
0x78: {  	_ =	shalt  }
0x79: {  	_ =	shalt  }
0x7a: {  	_ =	shalt  }
0x7b: {  	_ =	shalt  }
0x7c: {  	_ =	shalt  }
0x7d: {  	_ =	shalt  }
0x7e: {  	_ =	shalt  }
0x7f: {  	_ =	shalt  }
0x80: {  	_ =	shalt  }
0x81: {  	_ =	shalt  }
0x82: {  	_ =	shalt  }
0x83: {  	_ =	shalt  }
0x84: {  	_ =	shalt  }
0x85: {  	_ =	shalt  }
0x86: {  	_ =	shalt  }
0x87: {  	_ =	shalt  }
.Lfunc_end0:
.L_simem_size_0:
called_computation_lowered:
.L_overlay_start_0:
0x88: {  	s2 =	sld [smem:$0x3FD9]  }
0x89: {  	s3 =	sld [smem:$0x3FFE];
	_ =	sdelay $0x1  }
0x8a: {  	s1 =	srdreg.scid  }
0x8b: {  	s0 =	sand.u32 $0x1, s1  }
0x8c: {  	s16 =	sshll.u32 s0, $0xA;
	s2 =	sadd.s32 s3, s2  }
0x8d: {  	s2 =	sadd.s32 s2, s16  }
0x8e: {  	[smem:$0x3FC4] =	sst s2  }
0x8f: {  	_ = 	snop  }
0x90: {  	(tm) =	ssettm $0x1  }
0x91: {  	s17 =	sld [smem:$0x3FFB];
	_ =	sdelay $0x3  }
0x92: {  	_ =	strace s17  }
0x93: {  	s2 =	sld [smem:$0x3FFC];
	_ =	sdelay $0x3  }
0x94: {  	_ =	strace s2  }
0x95: {  	s2 =	sld [smem:$0x3FFD];
	_ =	sdelay $0x3  }
0x96: {  	_ =	strace s2  }
0x97: {  	_ =	strace $0x8FFFFFFF  }
0x98: {  	s18 =	sld [smem:$0x3FDB];
	_ =	sdelay $0x1  }
0x99: {  	s19 =	simm.s32 $_scs_section_size  }
0x9a: {  	s4 =	simm.s32 $_size__tile_overlayer_lowered;
	s5 =	simm.s32 $_tile_overlayer_lowered  }
0x9b: {  	s22 =	simm.s32 $0x1BFF;
	s21 =	sshll.u32 s5, $0x1;
	s2 =	sadd.s32 s19, s18  }
0x9c: {  	s6 =	simm.s32 $0x0;
	s20 =	sshll.u32 s4, $0x1;
	s4 =	sadd.s32 s21, s2  }
0x9d: {  	[timem:s6], [sflag:s22] =	dma.local [hbm:s4], s20  }
0x9e: {  	_ =	swait.ge [sflag:s22], s20  }
0x9f: {  	s3 =	ssub.s32 $0x0, s20;
	[sflag:s22] =	ssyncset.done $0x0  }
0xa0: {  	[sflag:s22] =	ssyncadd.s32 s3;
	_ =	sdelay $0x1  }
0xa1: {  	s23 =	simm.s32 $0x1B8B  }
0xa2: {  	_ =	swait.ge [sflag:s23], $0x1  }
0xa3: {  	[sflag:s23] =	ssyncset.done $0x0  }
0xa4: {  	s25 =	simm.s32 $0x1B8E;
	s24 =	sld [smem:$0x3FFE];
	[sflag:s23] =	ssyncadd.s32 $0xFFFFFFFF  }
0xa5: {  	s26 =	simm.s32 $execute0_lowered;
	[smem:$0x3FD2] =	sst s25  }
0xa6: {  	s4 =	sshll.u32 s26, $0x1;
	_ =	strace $0x80000046;
	[dreg:$0x1] =	wrdreg $0xFFFFFFFF  }
0xa7: {  	s28 =	simm.s32 $_size_execute0_lowered;
	s2 =	sadd.s32 s2, s4;
	[dreg:$0x0] =	wrdreg $0x0  }
0xa8: {  	s4 =	sshll.u32 s28, $0x1;
	[dreg:$0x2] =	wrdreg s2  }
0xa9: {  	[dreg:$0x3] =	wrdreg s4  }
0xaa: {  	[dreg:$0x4] =	wrdreg $0xC0  }
0xab: {  	_ =	task [dreg:s6], $0x5FFFF  }
0xac: {  	[dreg:$0x1] =	wrdreg $0xFFFFFFFF  }
0xad: {  	[dreg:$0x0] =	wrdreg $0x60  }
0xae: {  	[dreg:$0x2] =	wrdreg s24  }
0xaf: {  	[dreg:$0x3] =	wrdreg $0x9  }
0xb0: {  	_ =	task.clear_ibuf [dreg:s6], $0x4FFFF;
	_ =	strace $0x90000046  }
0xb1: {  	s29 =	simm.s32 $0x9;
	_ =	strace $0x80000048  }
0xb2: {  	_ =	swait.ge [sflag:s29], $0x1  }
0xb3: {  	[sflag:s29] =	ssyncadd.s32 $0xFFFFFFFF  }
0xb4: {  	_ =	strace $0x90000048  }
0xb5: {  	_ =	sfence  }
0xb6: {  	s30 =	sld [smem:$0x0];
	_ =	sdelay $0x2  }
0xb7: {  	s31 =	sshll.u32 s1, $0xD;
	s1 =	sshrl.u32 s1, $0x2  }
0xb8: {  	s3 =	sand.u32 $0x4000, s31;
	s1 =	sadd.s32 s1, s30  }
0xb9: {  	s0 =	sor.u32 s3, s0;
	s1 =	sshll.u32 s1, $0x11  }
0xba: {  	s0 =	sor.u32 s1, s0  }
0xbb: {  	s0 =	sadd.s32 $0x8F2B, s0  }
0xbc: {  	[sflag:s0] =	ssyncadd.remote.s32 $0x1  }
0xbd: {  	_ =	sfence.sel $0xFFFF  }
0xbe: {  	[dreg:$0x0] =	wrdreg $0xFFFFFFFF;
	(pc) =	sbr.abs _section_cstart, $3  }
0xbf: {  	[dreg:$0x1] =	wrdreg $0xFFFFFFFF  }
0xc0: {  	_ =	task.clear_ibuf [dreg:s6], $0x2FFFF;
	_ =	strace $0x9FFFFFFF  }
0xc1: {  	(tm) =	ssettm $0x7FFFFFFF  }
tec
execute0_lowered:
.L_overlay_start_1:
0x0: {  	(tag) =	ssettag $0x1  }
0x1: {  	s1 =	srdreg.scid  }
0x2: {  	s0 =	stileid.u32;
	s4 =	rddreg [dreg:$0x0]  }
0x3: {  	s2 =	simm.s32 $0x0;
	s8 =	simm.s32 $0x60;
	s9 =	simm.s32 $0x6400  }
0x4: {  	s10 =	simm.s32 $0x68;
	s11 =	simm.s32 $0x7C00;
	s12 =	simm.s32 $0x9600  }
0x5: {  	s13 =	simm.s32 $0xAE00;
	s14 =	simm.s32 $0x1;
	s15 =	simm.s32 $0x2  }
0x6: {  	s16 =	simm.s32 $0xC800;
	s17 =	simm.s32 $0x0;
	s3 =	sand.u32 $0x1, s1  }
0x7: {  	s5 =	sshll.u32 s0, $0x8;
	[smem:$0x7FF] =	sst s2;
	s6 =	sshll.u32 s3, $0x7  }
0x8: {  	s1 =	rddreg [dreg:$0x1];
	_ =	strace $0x80000047;
	s5 =	sor.u32 s6, s5  }
0x9: {  	s7 =	ssub.s32 $0x2, s3;
	s6 =	smul.u32 $0x19, s5;
	s5 =	sshll.u32 s5, $0x3  }
0xa: {  	s3 =	sadd.s32 $0xF42E00, s4;
	s31 =	sshrl.u32 s7, $0x1;
	s5 =	sadd.s32 s5, s4  }
0xb: {  	s7 =	ssub.s32 s7, s31;
	s6 =	sadd.s32 s6, s4;
	s5 =	sadd.s32 $0x19A00, s5  }
0xc: {  	s4 =	sadd.s32 $0xA00, s6;
	s6 =	smax.u32 s7, $0x1;
	s7 =	simm.s32 $0x3  }
.LBB2_1:
0xd: {  	[tilespmem:s2], [sflag:$0x3] =	stream.linear.gather [hbm4b:s4+s2], $0x6400, $0x38;
	[tilespmem:$0xE800] =	vst v63  }
0xe: {  	_ =	swait.ge [sflag:s7], $0x6400  }
0xf: {  	[sflag:s7] =	ssyncset.done $0x0  }
0x10: {  	[sflag:s7] =	ssyncadd.s32 $0xFFFF9C00  }
0x11: {  	[tilespmem:s9], [sflag:$0x1] =	stream.indirect.gather [hbm4b:s3+s8], $0x40, s2, s8, $0xb8;
	[tilespmem:$0xE800] =	vst v63  }
0x12: {  	s18 =	simm.s32 $0x0  }
0x13: {  	[tilespmem:s11], [sflag:$0x1] =	stream.indirect.gather [hbm4b:s3+s10], $0x40, s8, s10, $0xb8;
	[tilespmem:$0xE800] =	vst v63  }
.LBB2_2:
0x14: {  	s19 =	sshllo.u32 s18, $0x1  }
0x15: {  	s20 =	smul.u32 $0x320, s19;
	_ =	sdelay $0x1  }
0x16: {  	s20 =	sshra.s32 s20, $0x2  }
0x17: {  	[tilespmem:s12], [sflag:$0x2] =	stream.indirect.gather [hbm4b:s3+s8], $0x40, s20, s8, $0xb8;
	[tilespmem:$0xE800] =	vst v63  }
0x18: {  	s20 =	sadd.s32 $0x60, s20  }
0x19: {  	[tilespmem:s13], [sflag:$0x2] =	stream.indirect.gather [hbm4b:s3+s10], $0x40, s20, s10, $0xb8;
	[tilespmem:$0xE800] =	vst v63  }
0x1a: {  	_ =	swait.ge [sflag:s14], $0x1800  }
0x1b: {  	[sflag:s14] =	ssyncset.done $0x0  }
0x1c: {  	[sflag:s14] =	ssyncadd.s32 $0xFFFFE800  }
0x1d: {  	_ =	swait.ge [sflag:s14], $0x1A00  }
0x1e: {  	[sflag:s14] =	ssyncset.done $0x0  }
0x1f: {  	s21 =	simm.s32 $0x7F70;
	[sflag:s14] =	ssyncadd.s32 $0xFFFFE600  }
0x20: {  	v0 =	vld [tilespmem:s21+$0xFFFFFFD0]  }
0x21: {  	v1 =	vld [tilespmem:s21+$0xFFFFFFE0]  }
0x22: {  	v2 =	vld [tilespmem:s21+$0xFFFFE6D0]  }
0x23: {  	v3 =	vld [tilespmem:s21+$0xFFFFE6E0]  }
0x24: {  	v4 =	vld [tilespmem:s21+$0xFFFFFF90]  }
0x25: {  	v5 =	vld [tilespmem:s21+$0xFFFFFFA0]  }
0x26: {  	v6 =	vld [tilespmem:s21+$0xFFFFE690]  }
0x27: {  	v7 =	vld [tilespmem:s21+$0xFFFFE6A0]  }
0x28: {  	v8 =	vld [tilespmem:s21+$0xFFFFFF50]  }
0x29: {  	v9 =	vld [tilespmem:s21+$0xFFFFFF60]  }
0x2a: {  	v10 =	vld [tilespmem:s21+$0xFFFFE650]  }
0x2b: {  	v11 =	vld [tilespmem:s21+$0xFFFFE660]  }
0x2c: {  	v12 =	vld [tilespmem:s21+$0xFFFFFF10]  }
0x2d: {  	v13 =	vld [tilespmem:s21+$0xFFFFFF20]  }
0x2e: {  	v14 =	vld [tilespmem:s21+$0xFFFFE610]  }
0x2f: {  	v15 =	vld [tilespmem:s21+$0xFFFFE620]  }
0x30: {  	v16 =	vld [tilespmem:s21+$0xFFFFFED0]  }
0x31: {  	v17 =	vld [tilespmem:s21+$0xFFFFFEE0]  }
0x32: {  	v18 =	vld [tilespmem:s21+$0xFFFFE5D0]  }
0x33: {  	v19 =	vld [tilespmem:s21+$0xFFFFE5E0]  }
0x34: {  	v20 =	vld [tilespmem:s21+$0xFFFFFE90]  }
0x35: {  	v21 =	vld [tilespmem:s21+$0xFFFFFEA0]  }
0x36: {  	v22 =	vld [tilespmem:s21+$0xFFFFE590]  }
0x37: {  	v23 =	vld [tilespmem:s21+$0xFFFFE5A0]  }
0x38: {  	v24 =	vld [tilespmem:s21+$0xFFFFFE50]  }
0x39: {  	v25 =	vld [tilespmem:s21+$0xFFFFFE60]  }
0x3a: {  	v26 =	vld [tilespmem:s21+$0xFFFFE550]  }
0x3b: {  	v27 =	vld [tilespmem:s21+$0xFFFFE560]  }
0x3c: {  	v28 =	vld [tilespmem:s21+$0xFFFFFE10]  }
0x3d: {  	v29 =	vld [tilespmem:s21+$0xFFFFFE20]  }
0x3e: {  	v30 =	vld [tilespmem:s21+$0xFFFFE510]  }
0x3f: {  	v31 =	vld [tilespmem:s21+$0xFFFFE520]  }
0x40: {  	v32 =	vld [tilespmem:s21+$0xFFFFFDD0]  }
0x41: {  	v33 =	vld [tilespmem:s21+$0xFFFFFDE0]  }
0x42: {  	v34 =	vld [tilespmem:s21+$0xFFFFE4D0]  }
0x43: {  	v35 =	vld [tilespmem:s21+$0xFFFFE4E0]  }
0x44: {  	v36 =	vld [tilespmem:s21+$0xFFFFFD90]  }
0x45: {  	v37 =	vld [tilespmem:s21+$0xFFFFFDA0]  }
0x46: {  	v38 =	vld [tilespmem:s21+$0xFFFFE490]  }
0x47: {  	v39 =	vld [tilespmem:s21+$0xFFFFE4A0]  }
0x48: {  	v40 =	vld [tilespmem:s21+$0xFFFFE4B0]  }
0x49: {  	v41 =	vld [tilespmem:s21+$0xFFFFE4C0]  }
0x4a: {  	v42 =	vld [tilespmem:s21+$0xFFFFFDB0]  }
0x4b: {  	v43 =	vld [tilespmem:s21+$0xFFFFFDC0]  }
0x4c: {  	v44 =	vimm.f32 $0.0e+00;
	v45 =	vld [tilespmem:s21+$0xFFFFE4F0]  }
0x4d: {  	v46 =	vld [tilespmem:s21+$0xFFFFE500];
	v38 =	vadd.f32 v38, v44;
	v39 =	vadd.f32 v39, v44  }
0x4e: {  	v58 =	vld [tilespmem:s21+$0xFFFFFDF0];
	v40 =	vadd.f32 v40, v44;
	v41 =	vadd.f32 v41, v44  }
0x4f: {  	v59 =	vld [tilespmem:s21+$0xFFFFFE00];
	v36 =	vadd.f32 v36, v38;
	v37 =	vadd.f32 v37, v39  }
0x50: {  	v62 =	vld [tilespmem:s21+$0xFFFFE530];
	v60 =	vadd.f32 v42, v40;
	v61 =	vadd.f32 v43, v41  }
0x51: {  	v63 =	vld [tilespmem:s21+$0xFFFFE540];
	v34 =	vadd.f32 v34, v36;
	v35 =	vadd.f32 v35, v37  }
0x52: {  	v47 =	vld [tilespmem:s21+$0xFFFFFE30];
	v45 =	vadd.f32 v45, v60;
	v46 =	vadd.f32 v46, v61  }
0x53: {  	v48 =	vld [tilespmem:s21+$0xFFFFFE40];
	v32 =	vadd.f32 v32, v34;
	v33 =	vadd.f32 v33, v35  }
0x54: {  	v51 =	vld [tilespmem:s21+$0xFFFFE570];
	v49 =	vadd.f32 v58, v45;
	v50 =	vadd.f32 v59, v46  }
0x55: {  	v52 =	vld [tilespmem:s21+$0xFFFFE580];
	v30 =	vadd.f32 v30, v32;
	v31 =	vadd.f32 v31, v33  }
0x56: {  	v55 =	vld [tilespmem:s21+$0xFFFFFE70];
	v53 =	vadd.f32 v62, v49;
	v54 =	vadd.f32 v63, v50  }
0x57: {  	v56 =	vld [tilespmem:s21+$0xFFFFFE80];
	v28 =	vadd.f32 v28, v30;
	v29 =	vadd.f32 v29, v31  }
0x58: {  	v60 =	vld [tilespmem:s21+$0xFFFFE5C0];
	v57 =	vadd.f32 v47, v53;
	v58 =	vadd.f32 v48, v54  }
0x59: {  	v59 =	vld [tilespmem:s21+$0xFFFFE5B0];
	v26 =	vadd.f32 v26, v28;
	v27 =	vadd.f32 v27, v29  }
0x5a: {  	v35 =	vld [tilespmem:s21+$0xFFFFFEC0];
	v61 =	vadd.f32 v51, v57;
	v62 =	vadd.f32 v52, v58  }
0x5b: {  	v63 =	vld [tilespmem:s21+$0xFFFFFEB0];
	v24 =	vadd.f32 v24, v26;
	v25 =	vadd.f32 v25, v27  }
0x5c: {  	v39 =	vld [tilespmem:s21+$0xFFFFE5F0];
	v37 =	vadd.f32 v55, v61;
	v38 =	vadd.f32 v56, v62  }
0x5d: {  	v40 =	vld [tilespmem:s21+$0xFFFFE600];
	v22 =	vadd.f32 v22, v24;
	v23 =	vadd.f32 v23, v25  }
0x5e: {  	v44 =	vld [tilespmem:s21+$0xFFFFFF00];
	v41 =	vadd.f32 v59, v37;
	v42 =	vadd.f32 v60, v38  }
0x5f: {  	v43 =	vld [tilespmem:s21+$0xFFFFFEF0];
	v20 =	vadd.f32 v20, v22;
	v21 =	vadd.f32 v21, v23  }
0x60: {  	v47 =	vld [tilespmem:s21+$0xFFFFE630];
	v45 =	vadd.f32 v63, v41;
	v46 =	vadd.f32 v35, v42  }
0x61: {  	v48 =	vld [tilespmem:s21+$0xFFFFE640];
	v18 =	vadd.f32 v18, v20;
	v19 =	vadd.f32 v19, v21  }
0x62: {  	v51 =	vld [tilespmem:s21+$0xFFFFFF30];
	v49 =	vadd.f32 v39, v45;
	v50 =	vadd.f32 v40, v46  }
0x63: {  	v52 =	vld [tilespmem:s21+$0xFFFFFF40];
	v16 =	vadd.f32 v16, v18;
	v17 =	vadd.f32 v17, v19  }
0x64: {  	v55 =	vld [tilespmem:s21+$0xFFFFE670];
	v53 =	vadd.f32 v43, v49;
	v54 =	vadd.f32 v44, v50  }
0x65: {  	v56 =	vld [tilespmem:s21+$0xFFFFE680];
	v14 =	vadd.f32 v14, v16;
	v15 =	vadd.f32 v15, v17  }
0x66: {  	v59 =	vld [tilespmem:s21+$0xFFFFFF70];
	v57 =	vadd.f32 v47, v53;
	v58 =	vadd.f32 v48, v54  }
0x67: {  	v12 =	vadd.f32 v12, v14;
	v13 =	vadd.f32 v13, v15;
	v14 =	vld [tilespmem:s21+$0xFFFFFF80]  }
0x68: {  	v61 =	vld [tilespmem:s21+$0xFFFFE6B0];
	v15 =	vadd.f32 v51, v57;
	v60 =	vadd.f32 v52, v58  }
0x69: {  	v12 =	vadd.f32 v10, v12;
	v11 =	vadd.f32 v11, v13;
	v13 =	vld [tilespmem:s21+$0xFFFFE6C0]  }
0x6a: {  	v15 =	vadd.f32 v55, v15;
	v16 =	vadd.f32 v56, v60;
	v10 =	vld [tilespmem:s21+$0xFFFFFFB0]  }
0x6b: {  	v12 =	vadd.f32 v8, v12;
	v11 =	vadd.f32 v9, v11;
	v9 =	vld [tilespmem:s21+$0xFFFFFFC0]  }
0x6c: {  	v15 =	vadd.f32 v59, v15;
	v8 =	vld [tilespmem:s21+$0xFFFFE6F0];
	v14 =	vadd.f32 v14, v16  }
0x6d: {  	v62 =	vadd.f32 v6, v12;
	v63 =	vadd.f32 v7, v11;
	v7 =	vld [tilespmem:s21+$0xFFFFE700]  }
0x6e: {  	v12 =	vadd.f32 v61, v15;
	v6 =	vld [tilespmem:s21+$0xFFFFFFF0];
	v11 =	vadd.f32 v13, v14  }
0x6f: {  	s20 =	simm.s32 $0x0;
	v13 =	vadd.f32 v4, v62;
	v4 =	vadd.f32 v5, v63;
	v5 =	vld [tilespmem:s21+$0x0];
	s21 =	simm.s32 $0x81F0  }
.LBB2_3:
0x70: {  	v14 =	vld [tilespmem:s21+$0xFFFFFFD0];
	v10 =	vadd.f32 v10, v12;
	v9 =	vadd.f32 v9, v11  }
0x71: {  	v11 =	vld [tilespmem:s21+$0xFFFFFFE0];
	v12 =	vadd.f32 v2, v13;
	v4 =	vadd.f32 v3, v4  }
0x72: {  	v2 =	vld [tilespmem:s21+$0xFFFFE6D0];
	v8 =	vadd.f32 v8, v10;
	v7 =	vadd.f32 v7, v9  }
0x73: {  	v3 =	vld [tilespmem:s21+$0xFFFFE6E0];
	v20 =	vadd.f32 v0, v12;
	v21 =	vadd.f32 v1, v4  }
0x74: {  	v4 =	vld [tilespmem:s21+$0xFFFFFF90];
	v22 =	vadd.f32 v6, v8;
	v23 =	vadd.f32 v5, v7  }
0x75: {  	v5 =	vld [tilespmem:s21+$0xFFFFFFA0];
	v0 =	vmov v14  }
0x76: {  	v6 =	vld [tilespmem:s21+$0xFFFFE690];
	v1 =	vmov v11  }
0x77: {  	v7 =	vld [tilespmem:s21+$0xFFFFE6A0]  }
0x78: {  	v8 =	vld [tilespmem:s21+$0xFFFFFF50]  }
0x79: {  	v9 =	vld [tilespmem:s21+$0xFFFFFF60]  }
0x7a: {  	v10 =	vld [tilespmem:s21+$0xFFFFE650]  }
0x7b: {  	v11 =	vld [tilespmem:s21+$0xFFFFE660]  }
0x7c: {  	v12 =	vld [tilespmem:s21+$0xFFFFFF10]  }
0x7d: {  	v13 =	vld [tilespmem:s21+$0xFFFFFF20]  }
0x7e: {  	v14 =	vld [tilespmem:s21+$0xFFFFE610]  }
0x7f: {  	v15 =	vld [tilespmem:s21+$0xFFFFE620]  }
0x80: {  	v16 =	vld [tilespmem:s21+$0xFFFFFED0]  }
0x81: {  	v17 =	vld [tilespmem:s21+$0xFFFFFEE0]  }
0x82: {  	v18 =	vld [tilespmem:s21+$0xFFFFE5D0]  }
0x83: {  	v19 =	vld [tilespmem:s21+$0xFFFFE5E0]  }
0x84: {  	v24 =	vld [tilespmem:s21+$0xFFFFFE90]  }
0x85: {  	v25 =	vld [tilespmem:s21+$0xFFFFFEA0]  }
0x86: {  	v26 =	vld [tilespmem:s21+$0xFFFFE590]  }
0x87: {  	v27 =	vld [tilespmem:s21+$0xFFFFE5A0]  }
0x88: {  	v28 =	vld [tilespmem:s21+$0xFFFFFE50]  }
0x89: {  	v29 =	vld [tilespmem:s21+$0xFFFFFE60]  }
0x8a: {  	v30 =	vld [tilespmem:s21+$0xFFFFE550]  }
0x8b: {  	v31 =	vld [tilespmem:s21+$0xFFFFE560]  }
0x8c: {  	v32 =	vld [tilespmem:s21+$0xFFFFFE10]  }
0x8d: {  	v33 =	vld [tilespmem:s21+$0xFFFFFE20]  }
0x8e: {  	v34 =	vld [tilespmem:s21+$0xFFFFE510]  }
0x8f: {  	v35 =	vld [tilespmem:s21+$0xFFFFE520]  }
0x90: {  	v36 =	vld [tilespmem:s21+$0xFFFFFDD0]  }
0x91: {  	v37 =	vld [tilespmem:s21+$0xFFFFFDE0]  }
0x92: {  	v38 =	vld [tilespmem:s21+$0xFFFFE4D0]  }
0x93: {  	v39 =	vld [tilespmem:s21+$0xFFFFE4E0]  }
0x94: {  	v40 =	vld [tilespmem:s21+$0xFFFFFD90]  }
0x95: {  	v41 =	vld [tilespmem:s21+$0xFFFFFDA0]  }
0x96: {  	v42 =	vld [tilespmem:s21+$0xFFFFE490]  }
0x97: {  	v43 =	vld [tilespmem:s21+$0xFFFFE4A0]  }
0x98: {  	v44 =	vld [tilespmem:s21+$0xFFFFE4B0]  }
0x99: {  	s20 =	sadd.s32 $0xA, s20;
	v45 =	vld [tilespmem:s21+$0xFFFFE4C0]  }
0x9a: {  	p0 =	slt.u32 s20, $0x5A;
	v46 =	vld [tilespmem:s21+$0xFFFFFDB0]  }
0x9b: {  	v47 =	vld [tilespmem:s21+$0xFFFFFDC0]  }
0x9c: {  	v48 =	vld [tilespmem:s21+$0xFFFFE4F0]  }
0x9d: {  	v20 =	vadd.f32 v42, v20;
	v21 =	vadd.f32 v43, v21;
	v42 =	vld [tilespmem:s21+$0xFFFFE500]  }
0x9e: {  	v22 =	vadd.f32 v44, v22;
	v23 =	vadd.f32 v45, v23;
	v43 =	vld [tilespmem:s21+$0xFFFFFDF0]  }
0x9f: {  	v20 =	vadd.f32 v40, v20;
	v21 =	vadd.f32 v41, v21;
	v40 =	vld [tilespmem:s21+$0xFFFFFE00]  }
0xa0: {  	v22 =	vadd.f32 v46, v22;
	v23 =	vadd.f32 v47, v23;
	v41 =	vld [tilespmem:s21+$0xFFFFE530]  }
0xa1: {  	v20 =	vadd.f32 v38, v20;
	v21 =	vadd.f32 v39, v21;
	v38 =	vld [tilespmem:s21+$0xFFFFE540]  }
0xa2: {  	v22 =	vadd.f32 v48, v22;
	v23 =	vadd.f32 v42, v23;
	v39 =	vld [tilespmem:s21+$0xFFFFFE30]  }
0xa3: {  	v20 =	vadd.f32 v36, v20;
	v21 =	vadd.f32 v37, v21;
	v36 =	vld [tilespmem:s21+$0xFFFFFE40]  }
0xa4: {  	v22 =	vadd.f32 v43, v22;
	v23 =	vadd.f32 v40, v23;
	v37 =	vld [tilespmem:s21+$0xFFFFE570]  }
0xa5: {  	v20 =	vadd.f32 v34, v20;
	v21 =	vadd.f32 v35, v21;
	v34 =	vld [tilespmem:s21+$0xFFFFE580]  }
0xa6: {  	v22 =	vadd.f32 v41, v22;
	v23 =	vadd.f32 v38, v23;
	v35 =	vld [tilespmem:s21+$0xFFFFFE70]  }
0xa7: {  	v20 =	vadd.f32 v32, v20;
	v21 =	vadd.f32 v33, v21;
	v32 =	vld [tilespmem:s21+$0xFFFFFE80]  }
0xa8: {  	v22 =	vadd.f32 v39, v22;
	v23 =	vadd.f32 v36, v23;
	v33 =	vld [tilespmem:s21+$0xFFFFE5B0]  }
0xa9: {  	v20 =	vadd.f32 v30, v20;
	v21 =	vadd.f32 v31, v21;
	v30 =	vld [tilespmem:s21+$0xFFFFE5C0]  }
0xaa: {  	v22 =	vadd.f32 v37, v22;
	v23 =	vadd.f32 v34, v23;
	v31 =	vld [tilespmem:s21+$0xFFFFFEB0]  }
0xab: {  	v20 =	vadd.f32 v28, v20;
	v21 =	vadd.f32 v29, v21;
	v28 =	vld [tilespmem:s21+$0xFFFFFEC0]  }
0xac: {  	v22 =	vadd.f32 v35, v22;
	v23 =	vadd.f32 v32, v23;
	v29 =	vld [tilespmem:s21+$0xFFFFE5F0]  }
0xad: {  	v20 =	vadd.f32 v26, v20;
	v21 =	vadd.f32 v27, v21;
	v26 =	vld [tilespmem:s21+$0xFFFFE600]  }
0xae: {  	v22 =	vadd.f32 v33, v22;
	v23 =	vadd.f32 v30, v23;
	v27 =	vld [tilespmem:s21+$0xFFFFFEF0]  }
0xaf: {  	v20 =	vadd.f32 v24, v20;
	v21 =	vadd.f32 v25, v21;
	v24 =	vld [tilespmem:s21+$0xFFFFFF00]  }
0xb0: {  	v22 =	vadd.f32 v31, v22;
	v23 =	vadd.f32 v28, v23;
	v25 =	vld [tilespmem:s21+$0xFFFFE630]  }
0xb1: {  	v18 =	vadd.f32 v18, v20;
	v19 =	vadd.f32 v19, v21;
	v20 =	vld [tilespmem:s21+$0xFFFFE640]  }
0xb2: {  	v21 =	vadd.f32 v29, v22;
	v22 =	vadd.f32 v26, v23;
	v23 =	vld [tilespmem:s21+$0xFFFFFF30]  }
0xb3: {  	v16 =	vadd.f32 v16, v18;
	v17 =	vadd.f32 v17, v19;
	v18 =	vld [tilespmem:s21+$0xFFFFFF40]  }
0xb4: {  	v19 =	vadd.f32 v27, v21;
	v21 =	vadd.f32 v24, v22;
	v22 =	vld [tilespmem:s21+$0xFFFFE670]  }
0xb5: {  	v14 =	vadd.f32 v14, v16;
	v15 =	vadd.f32 v15, v17;
	v16 =	vld [tilespmem:s21+$0xFFFFE680]  }
0xb6: {  	v17 =	vadd.f32 v25, v19;
	v19 =	vadd.f32 v20, v21;
	v20 =	vld [tilespmem:s21+$0xFFFFFF70]  }
0xb7: {  	v12 =	vadd.f32 v12, v14;
	v13 =	vadd.f32 v13, v15;
	v14 =	vld [tilespmem:s21+$0xFFFFFF80]  }
0xb8: {  	v15 =	vadd.f32 v23, v17;
	v17 =	vadd.f32 v18, v19;
	v18 =	vld [tilespmem:s21+$0xFFFFE6B0]  }
0xb9: {  	v12 =	vadd.f32 v10, v12;
	v11 =	vadd.f32 v11, v13;
	v13 =	vld [tilespmem:s21+$0xFFFFE6C0]  }
0xba: {  	v15 =	vadd.f32 v22, v15;
	v16 =	vadd.f32 v16, v17;
	v10 =	vld [tilespmem:s21+$0xFFFFFFB0]  }
.Ltmp0:
0xbb: {  	v12 =	vadd.f32 v8, v12;
	v11 =	vadd.f32 v9, v11;
	v9 =	vld [tilespmem:s21+$0xFFFFFFC0];
	(pc) =	sbr.rel @p0 .LBB2_3-.Ltmp0, $4  }
0xbc: {  	v15 =	vadd.f32 v20, v15;
	v14 =	vadd.f32 v14, v16;
	v8 =	vld [tilespmem:s21+$0xFFFFE6F0]  }
0xbd: {  	v16 =	vadd.f32 v6, v12;
	v17 =	vadd.f32 v7, v11;
	v7 =	vld [tilespmem:s21+$0xFFFFE700]  }
0xbe: {  	v12 =	vadd.f32 v18, v15;
	v11 =	vadd.f32 v13, v14;
	v6 =	vld [tilespmem:s21+$0xFFFFFFF0]  }
0xbf: {  	v13 =	vadd.f32 v4, v16;
	v4 =	vadd.f32 v5, v17;
	v5 =	vld [tilespmem:s21+$0x0];
	s21 =	sadd.s32 $0x280, s21  }
0xc0: {  	_ = 	snop  }
0xc1: {  	v10 =	vadd.f32 v10, v12;
	v2 =	vadd.f32 v2, v13  }
0xc2: {  	v9 =	vadd.f32 v9, v11;
	v3 =	vadd.f32 v3, v4  }
0xc3: {  	v4 =	vadd.f32 v8, v10;
	v0 =	vadd.f32 v0, v2  }
0xc4: {  	v2 =	vadd.f32 v7, v9;
	v1 =	vadd.f32 v1, v3  }
0xc5: {  	s20 =	sshll.u32 s18, $0x7;
	v3 =	vadd.f32 v6, v4;
	v0 =	vmul.f32 $4.999999890e-03, v0  }
0xc6: {  	p0 =	seq.s32 s18, $0x3F;
	s20 =	sand.u32 $0x3FFFFF80, s20;
	v2 =	vadd.f32 v5, v2;
	v1 =	vmul.f32 $4.999999890e-03, v1  }
0xc7: {  	s21 =	smul.u32 @!p0 $0x640, s18;
	[tilespmem:s20+$0xC800] =	vst v0;
	v0 =	vmul.f32 $4.999999890e-03, v3  }
0xc8: {  	[tilespmem:s20+$0xC810] =	vst v1;
	v1 =	vmul.f32 $4.999999890e-03, v2  }
0xc9: {  	s21 =	sshra.s32 @!p0 s21, $0x2;
	[tilespmem:s20+$0xC820] =	vst v0  }
0xca: {  	s22 =	simm.s32 @!p0 $0x60;
	s23 =	simm.s32 @!p0 $0x6400;
	[tilespmem:s20+$0xC830] =	vst v1;
	s20 =	sadd.s32 @!p0 $0x190, s21  }
0xcb: {  	[tilespmem:s23], [sflag:$0x1] =	stream.indirect.gather @!p0 [hbm4b:s3+s22], $0x40, s20, s22, $0xb8;
	[tilespmem:$0xE800] =	vst v63  }
0xcc: {  	s20 =	sadd.s32 @!p0 $0x1F0, s21;
	s21 =	simm.s32 @!p0 $0x68;
	s22 =	simm.s32 @!p0 $0x7C00  }
0xcd: {  	[tilespmem:s22], [sflag:$0x1] =	stream.indirect.gather @!p0 [hbm4b:s3+s21], $0x40, s20, s21, $0xb8;
	[tilespmem:$0xE800] =	vst v63  }
0xce: {  	_ =	swait.ge [sflag:s15], $0x1800  }
0xcf: {  	[sflag:s15] =	ssyncset.done $0x0  }
0xd0: {  	[sflag:s15] =	ssyncadd.s32 $0xFFFFE800  }
0xd1: {  	_ =	swait.ge [sflag:s15], $0x1A00  }
0xd2: {  	[sflag:s15] =	ssyncset.done $0x0  }
0xd3: {  	s31 =	simm.s32 $0xB170;
	[sflag:s15] =	ssyncadd.s32 $0xFFFFE600  }
0xd4: {  	v0 =	vld [tilespmem:s31+$0xFFFFFFD0]  }
0xd5: {  	v1 =	vld [tilespmem:s31+$0xFFFFFFE0]  }
0xd6: {  	v2 =	vld [tilespmem:s31+$0xFFFFE6D0]  }
0xd7: {  	v3 =	vld [tilespmem:s31+$0xFFFFE6E0]  }
0xd8: {  	v4 =	vld [tilespmem:s31+$0xFFFFFF90]  }
0xd9: {  	v5 =	vld [tilespmem:s31+$0xFFFFFFA0]  }
0xda: {  	v6 =	vld [tilespmem:s31+$0xFFFFE690]  }
0xdb: {  	v7 =	vld [tilespmem:s31+$0xFFFFE6A0]  }
0xdc: {  	v8 =	vld [tilespmem:s31+$0xFFFFFF50]  }
0xdd: {  	v9 =	vld [tilespmem:s31+$0xFFFFFF60]  }
0xde: {  	v10 =	vld [tilespmem:s31+$0xFFFFE650]  }
0xdf: {  	v11 =	vld [tilespmem:s31+$0xFFFFE660]  }
0xe0: {  	v12 =	vld [tilespmem:s31+$0xFFFFFF10]  }
0xe1: {  	v13 =	vld [tilespmem:s31+$0xFFFFFF20]  }
0xe2: {  	v14 =	vld [tilespmem:s31+$0xFFFFE610]  }
0xe3: {  	v15 =	vld [tilespmem:s31+$0xFFFFE620]  }
0xe4: {  	v16 =	vld [tilespmem:s31+$0xFFFFFED0]  }
0xe5: {  	v17 =	vld [tilespmem:s31+$0xFFFFFEE0]  }
0xe6: {  	v18 =	vld [tilespmem:s31+$0xFFFFE5D0]  }
0xe7: {  	v19 =	vld [tilespmem:s31+$0xFFFFE5E0]  }
0xe8: {  	v20 =	vld [tilespmem:s31+$0xFFFFFE90]  }
0xe9: {  	v21 =	vld [tilespmem:s31+$0xFFFFFEA0]  }
0xea: {  	v22 =	vld [tilespmem:s31+$0xFFFFE590]  }
0xeb: {  	v23 =	vld [tilespmem:s31+$0xFFFFE5A0]  }
0xec: {  	v24 =	vld [tilespmem:s31+$0xFFFFFE50]  }
0xed: {  	v25 =	vld [tilespmem:s31+$0xFFFFFE60]  }
0xee: {  	v26 =	vld [tilespmem:s31+$0xFFFFE550]  }
0xef: {  	v27 =	vld [tilespmem:s31+$0xFFFFE560]  }
0xf0: {  	v28 =	vld [tilespmem:s31+$0xFFFFFE10]  }
0xf1: {  	v29 =	vld [tilespmem:s31+$0xFFFFFE20]  }
0xf2: {  	v30 =	vld [tilespmem:s31+$0xFFFFE510]  }
0xf3: {  	v31 =	vld [tilespmem:s31+$0xFFFFE520]  }
0xf4: {  	v32 =	vld [tilespmem:s31+$0xFFFFFDD0]  }
0xf5: {  	v33 =	vld [tilespmem:s31+$0xFFFFFDE0]  }
0xf6: {  	v34 =	vld [tilespmem:s31+$0xFFFFE4D0]  }
0xf7: {  	v35 =	vld [tilespmem:s31+$0xFFFFE4E0]  }
0xf8: {  	v36 =	vld [tilespmem:s31+$0xFFFFFD90]  }
0xf9: {  	v37 =	vld [tilespmem:s31+$0xFFFFFDA0]  }
0xfa: {  	v38 =	vld [tilespmem:s31+$0xFFFFE490]  }
0xfb: {  	v39 =	vld [tilespmem:s31+$0xFFFFE4A0]  }
0xfc: {  	v40 =	vld [tilespmem:s31+$0xFFFFE4B0]  }
0xfd: {  	v41 =	vld [tilespmem:s31+$0xFFFFE4C0]  }
0xfe: {  	v42 =	vld [tilespmem:s31+$0xFFFFFDB0]  }
0xff: {  	v43 =	vld [tilespmem:s31+$0xFFFFFDC0]  }
0x100: {  	v44 =	vimm.f32 $0.0e+00;
	v45 =	vld [tilespmem:s31+$0xFFFFE4F0]  }
0x101: {  	v46 =	vld [tilespmem:s31+$0xFFFFE500];
	v38 =	vadd.f32 v38, v44;
	v39 =	vadd.f32 v39, v44  }
0x102: {  	v58 =	vld [tilespmem:s31+$0xFFFFFDF0];
	v40 =	vadd.f32 v40, v44;
	v41 =	vadd.f32 v41, v44  }
0x103: {  	v59 =	vld [tilespmem:s31+$0xFFFFFE00];
	v36 =	vadd.f32 v36, v38;
	v37 =	vadd.f32 v37, v39  }
0x104: {  	v62 =	vld [tilespmem:s31+$0xFFFFE530];
	v60 =	vadd.f32 v42, v40;
	v61 =	vadd.f32 v43, v41  }
0x105: {  	v63 =	vld [tilespmem:s31+$0xFFFFE540];
	v34 =	vadd.f32 v34, v36;
	v35 =	vadd.f32 v35, v37  }
0x106: {  	v47 =	vld [tilespmem:s31+$0xFFFFFE30];
	v45 =	vadd.f32 v45, v60;
	v46 =	vadd.f32 v46, v61  }
0x107: {  	v48 =	vld [tilespmem:s31+$0xFFFFFE40];
	v32 =	vadd.f32 v32, v34;
	v33 =	vadd.f32 v33, v35  }
0x108: {  	v51 =	vld [tilespmem:s31+$0xFFFFE570];
	v49 =	vadd.f32 v58, v45;
	v50 =	vadd.f32 v59, v46  }
0x109: {  	v52 =	vld [tilespmem:s31+$0xFFFFE580];
	v30 =	vadd.f32 v30, v32;
	v31 =	vadd.f32 v31, v33  }
0x10a: {  	v55 =	vld [tilespmem:s31+$0xFFFFFE70];
	v53 =	vadd.f32 v62, v49;
	v54 =	vadd.f32 v63, v50  }
0x10b: {  	v56 =	vld [tilespmem:s31+$0xFFFFFE80];
	v28 =	vadd.f32 v28, v30;
	v29 =	vadd.f32 v29, v31  }
0x10c: {  	v60 =	vld [tilespmem:s31+$0xFFFFE5C0];
	v57 =	vadd.f32 v47, v53;
	v58 =	vadd.f32 v48, v54  }
0x10d: {  	v59 =	vld [tilespmem:s31+$0xFFFFE5B0];
	v26 =	vadd.f32 v26, v28;
	v27 =	vadd.f32 v27, v29  }
0x10e: {  	v35 =	vld [tilespmem:s31+$0xFFFFFEC0];
	v61 =	vadd.f32 v51, v57;
	v62 =	vadd.f32 v52, v58  }
0x10f: {  	v63 =	vld [tilespmem:s31+$0xFFFFFEB0];
	v24 =	vadd.f32 v24, v26;
	v25 =	vadd.f32 v25, v27  }
0x110: {  	v39 =	vld [tilespmem:s31+$0xFFFFE5F0];
	v37 =	vadd.f32 v55, v61;
	v38 =	vadd.f32 v56, v62  }
0x111: {  	v40 =	vld [tilespmem:s31+$0xFFFFE600];
	v22 =	vadd.f32 v22, v24;
	v23 =	vadd.f32 v23, v25  }
0x112: {  	v44 =	vld [tilespmem:s31+$0xFFFFFF00];
	v41 =	vadd.f32 v59, v37;
	v42 =	vadd.f32 v60, v38  }
0x113: {  	v43 =	vld [tilespmem:s31+$0xFFFFFEF0];
	v20 =	vadd.f32 v20, v22;
	v21 =	vadd.f32 v21, v23  }
0x114: {  	v47 =	vld [tilespmem:s31+$0xFFFFE630];
	v45 =	vadd.f32 v63, v41;
	v46 =	vadd.f32 v35, v42  }
0x115: {  	v48 =	vld [tilespmem:s31+$0xFFFFE640];
	v18 =	vadd.f32 v18, v20;
	v19 =	vadd.f32 v19, v21  }
0x116: {  	v51 =	vld [tilespmem:s31+$0xFFFFFF30];
	v49 =	vadd.f32 v39, v45;
	v50 =	vadd.f32 v40, v46  }
0x117: {  	v52 =	vld [tilespmem:s31+$0xFFFFFF40];
	v16 =	vadd.f32 v16, v18;
	v17 =	vadd.f32 v17, v19  }
0x118: {  	v55 =	vld [tilespmem:s31+$0xFFFFE670];
	v53 =	vadd.f32 v43, v49;
	v54 =	vadd.f32 v44, v50  }
0x119: {  	v56 =	vld [tilespmem:s31+$0xFFFFE680];
	v14 =	vadd.f32 v14, v16;
	v15 =	vadd.f32 v15, v17  }
0x11a: {  	v59 =	vld [tilespmem:s31+$0xFFFFFF70];
	v57 =	vadd.f32 v47, v53;
	v58 =	vadd.f32 v48, v54  }
0x11b: {  	v12 =	vadd.f32 v12, v14;
	v13 =	vadd.f32 v13, v15;
	v14 =	vld [tilespmem:s31+$0xFFFFFF80]  }
0x11c: {  	v61 =	vld [tilespmem:s31+$0xFFFFE6B0];
	v15 =	vadd.f32 v51, v57;
	v60 =	vadd.f32 v52, v58  }
0x11d: {  	v12 =	vadd.f32 v10, v12;
	v11 =	vadd.f32 v11, v13;
	v13 =	vld [tilespmem:s31+$0xFFFFE6C0]  }
0x11e: {  	v15 =	vadd.f32 v55, v15;
	v16 =	vadd.f32 v56, v60;
	v10 =	vld [tilespmem:s31+$0xFFFFFFB0]  }
0x11f: {  	v12 =	vadd.f32 v8, v12;
	v11 =	vadd.f32 v9, v11;
	v9 =	vld [tilespmem:s31+$0xFFFFFFC0]  }
0x120: {  	v15 =	vadd.f32 v59, v15;
	v8 =	vld [tilespmem:s31+$0xFFFFE6F0];
	v14 =	vadd.f32 v14, v16  }
0x121: {  	v62 =	vadd.f32 v6, v12;
	v63 =	vadd.f32 v7, v11;
	v7 =	vld [tilespmem:s31+$0xFFFFE700]  }
0x122: {  	v12 =	vadd.f32 v61, v15;
	v6 =	vld [tilespmem:s31+$0xFFFFFFF0];
	v11 =	vadd.f32 v13, v14  }
0x123: {  	s20 =	simm.s32 $0x0;
	s21 =	simm.s32 $0xB3F0;
	v13 =	vadd.f32 v4, v62;
	v4 =	vadd.f32 v5, v63;
	v5 =	vld [tilespmem:s31+$0x0]  }
.LBB2_5:
0x124: {  	v14 =	vld [tilespmem:s21+$0xFFFFFFD0];
	v10 =	vadd.f32 v10, v12;
	v9 =	vadd.f32 v9, v11  }
0x125: {  	v11 =	vld [tilespmem:s21+$0xFFFFFFE0];
	v12 =	vadd.f32 v2, v13;
	v4 =	vadd.f32 v3, v4  }
0x126: {  	v2 =	vld [tilespmem:s21+$0xFFFFE6D0];
	v8 =	vadd.f32 v8, v10;
	v7 =	vadd.f32 v7, v9  }
0x127: {  	v3 =	vld [tilespmem:s21+$0xFFFFE6E0];
	v20 =	vadd.f32 v0, v12;
	v21 =	vadd.f32 v1, v4  }
0x128: {  	v4 =	vld [tilespmem:s21+$0xFFFFFF90];
	v22 =	vadd.f32 v6, v8;
	v23 =	vadd.f32 v5, v7  }
0x129: {  	v5 =	vld [tilespmem:s21+$0xFFFFFFA0];
	v0 =	vmov v14  }
0x12a: {  	v6 =	vld [tilespmem:s21+$0xFFFFE690];
	v1 =	vmov v11  }
0x12b: {  	v7 =	vld [tilespmem:s21+$0xFFFFE6A0]  }
0x12c: {  	v8 =	vld [tilespmem:s21+$0xFFFFFF50]  }
0x12d: {  	v9 =	vld [tilespmem:s21+$0xFFFFFF60]  }
0x12e: {  	v10 =	vld [tilespmem:s21+$0xFFFFE650]  }
0x12f: {  	v11 =	vld [tilespmem:s21+$0xFFFFE660]  }
0x130: {  	v12 =	vld [tilespmem:s21+$0xFFFFFF10]  }
0x131: {  	v13 =	vld [tilespmem:s21+$0xFFFFFF20]  }
0x132: {  	v14 =	vld [tilespmem:s21+$0xFFFFE610]  }
0x133: {  	v15 =	vld [tilespmem:s21+$0xFFFFE620]  }
0x134: {  	v16 =	vld [tilespmem:s21+$0xFFFFFED0]  }
0x135: {  	v17 =	vld [tilespmem:s21+$0xFFFFFEE0]  }
0x136: {  	v18 =	vld [tilespmem:s21+$0xFFFFE5D0]  }
0x137: {  	v19 =	vld [tilespmem:s21+$0xFFFFE5E0]  }
0x138: {  	v24 =	vld [tilespmem:s21+$0xFFFFFE90]  }
0x139: {  	v25 =	vld [tilespmem:s21+$0xFFFFFEA0]  }
0x13a: {  	v26 =	vld [tilespmem:s21+$0xFFFFE590]  }
0x13b: {  	v27 =	vld [tilespmem:s21+$0xFFFFE5A0]  }
0x13c: {  	v28 =	vld [tilespmem:s21+$0xFFFFFE50]  }
0x13d: {  	v29 =	vld [tilespmem:s21+$0xFFFFFE60]  }
0x13e: {  	v30 =	vld [tilespmem:s21+$0xFFFFE550]  }
0x13f: {  	v31 =	vld [tilespmem:s21+$0xFFFFE560]  }
0x140: {  	v32 =	vld [tilespmem:s21+$0xFFFFFE10]  }
0x141: {  	v33 =	vld [tilespmem:s21+$0xFFFFFE20]  }
0x142: {  	v34 =	vld [tilespmem:s21+$0xFFFFE510]  }
0x143: {  	v35 =	vld [tilespmem:s21+$0xFFFFE520]  }
0x144: {  	v36 =	vld [tilespmem:s21+$0xFFFFFDD0]  }
0x145: {  	v37 =	vld [tilespmem:s21+$0xFFFFFDE0]  }
0x146: {  	v38 =	vld [tilespmem:s21+$0xFFFFE4D0]  }
0x147: {  	v39 =	vld [tilespmem:s21+$0xFFFFE4E0]  }
0x148: {  	v40 =	vld [tilespmem:s21+$0xFFFFFD90]  }
0x149: {  	v41 =	vld [tilespmem:s21+$0xFFFFFDA0]  }
0x14a: {  	v42 =	vld [tilespmem:s21+$0xFFFFE490]  }
0x14b: {  	v43 =	vld [tilespmem:s21+$0xFFFFE4A0]  }
0x14c: {  	v44 =	vld [tilespmem:s21+$0xFFFFE4B0]  }
0x14d: {  	s20 =	sadd.s32 $0xA, s20;
	v45 =	vld [tilespmem:s21+$0xFFFFE4C0]  }
0x14e: {  	p0 =	slt.u32 s20, $0x5A;
	v46 =	vld [tilespmem:s21+$0xFFFFFDB0]  }
0x14f: {  	v47 =	vld [tilespmem:s21+$0xFFFFFDC0]  }
0x150: {  	v48 =	vld [tilespmem:s21+$0xFFFFE4F0]  }
0x151: {  	v20 =	vadd.f32 v42, v20;
	v21 =	vadd.f32 v43, v21;
	v42 =	vld [tilespmem:s21+$0xFFFFE500]  }
0x152: {  	v22 =	vadd.f32 v44, v22;
	v23 =	vadd.f32 v45, v23;
	v43 =	vld [tilespmem:s21+$0xFFFFFDF0]  }
0x153: {  	v20 =	vadd.f32 v40, v20;
	v21 =	vadd.f32 v41, v21;
	v40 =	vld [tilespmem:s21+$0xFFFFFE00]  }
0x154: {  	v22 =	vadd.f32 v46, v22;
	v23 =	vadd.f32 v47, v23;
	v41 =	vld [tilespmem:s21+$0xFFFFE530]  }
0x155: {  	v20 =	vadd.f32 v38, v20;
	v21 =	vadd.f32 v39, v21;
	v38 =	vld [tilespmem:s21+$0xFFFFE540]  }
0x156: {  	v22 =	vadd.f32 v48, v22;
	v23 =	vadd.f32 v42, v23;
	v39 =	vld [tilespmem:s21+$0xFFFFFE30]  }
0x157: {  	v20 =	vadd.f32 v36, v20;
	v21 =	vadd.f32 v37, v21;
	v36 =	vld [tilespmem:s21+$0xFFFFFE40]  }
0x158: {  	v22 =	vadd.f32 v43, v22;
	v23 =	vadd.f32 v40, v23;
	v37 =	vld [tilespmem:s21+$0xFFFFE570]  }
0x159: {  	v20 =	vadd.f32 v34, v20;
	v21 =	vadd.f32 v35, v21;
	v34 =	vld [tilespmem:s21+$0xFFFFE580]  }
0x15a: {  	v22 =	vadd.f32 v41, v22;
	v23 =	vadd.f32 v38, v23;
	v35 =	vld [tilespmem:s21+$0xFFFFFE70]  }
0x15b: {  	v20 =	vadd.f32 v32, v20;
	v21 =	vadd.f32 v33, v21;
	v32 =	vld [tilespmem:s21+$0xFFFFFE80]  }
0x15c: {  	v22 =	vadd.f32 v39, v22;
	v23 =	vadd.f32 v36, v23;
	v33 =	vld [tilespmem:s21+$0xFFFFE5B0]  }
0x15d: {  	v20 =	vadd.f32 v30, v20;
	v21 =	vadd.f32 v31, v21;
	v30 =	vld [tilespmem:s21+$0xFFFFE5C0]  }
0x15e: {  	v22 =	vadd.f32 v37, v22;
	v23 =	vadd.f32 v34, v23;
	v31 =	vld [tilespmem:s21+$0xFFFFFEB0]  }
0x15f: {  	v20 =	vadd.f32 v28, v20;
	v21 =	vadd.f32 v29, v21;
	v28 =	vld [tilespmem:s21+$0xFFFFFEC0]  }
0x160: {  	v22 =	vadd.f32 v35, v22;
	v23 =	vadd.f32 v32, v23;
	v29 =	vld [tilespmem:s21+$0xFFFFE5F0]  }
0x161: {  	v20 =	vadd.f32 v26, v20;
	v21 =	vadd.f32 v27, v21;
	v26 =	vld [tilespmem:s21+$0xFFFFE600]  }
0x162: {  	v22 =	vadd.f32 v33, v22;
	v23 =	vadd.f32 v30, v23;
	v27 =	vld [tilespmem:s21+$0xFFFFFEF0]  }
0x163: {  	v20 =	vadd.f32 v24, v20;
	v21 =	vadd.f32 v25, v21;
	v24 =	vld [tilespmem:s21+$0xFFFFFF00]  }
0x164: {  	v22 =	vadd.f32 v31, v22;
	v23 =	vadd.f32 v28, v23;
	v25 =	vld [tilespmem:s21+$0xFFFFE630]  }
0x165: {  	v18 =	vadd.f32 v18, v20;
	v19 =	vadd.f32 v19, v21;
	v20 =	vld [tilespmem:s21+$0xFFFFE640]  }
0x166: {  	v21 =	vadd.f32 v29, v22;
	v22 =	vadd.f32 v26, v23;
	v23 =	vld [tilespmem:s21+$0xFFFFFF30]  }
0x167: {  	v16 =	vadd.f32 v16, v18;
	v17 =	vadd.f32 v17, v19;
	v18 =	vld [tilespmem:s21+$0xFFFFFF40]  }
0x168: {  	v19 =	vadd.f32 v27, v21;
	v21 =	vadd.f32 v24, v22;
	v22 =	vld [tilespmem:s21+$0xFFFFE670]  }
0x169: {  	v14 =	vadd.f32 v14, v16;
	v15 =	vadd.f32 v15, v17;
	v16 =	vld [tilespmem:s21+$0xFFFFE680]  }
0x16a: {  	v17 =	vadd.f32 v25, v19;
	v19 =	vadd.f32 v20, v21;
	v20 =	vld [tilespmem:s21+$0xFFFFFF70]  }
0x16b: {  	v12 =	vadd.f32 v12, v14;
	v13 =	vadd.f32 v13, v15;
	v14 =	vld [tilespmem:s21+$0xFFFFFF80]  }
0x16c: {  	v15 =	vadd.f32 v23, v17;
	v17 =	vadd.f32 v18, v19;
	v18 =	vld [tilespmem:s21+$0xFFFFE6B0]  }
0x16d: {  	v12 =	vadd.f32 v10, v12;
	v11 =	vadd.f32 v11, v13;
	v13 =	vld [tilespmem:s21+$0xFFFFE6C0]  }
0x16e: {  	v15 =	vadd.f32 v22, v15;
	v16 =	vadd.f32 v16, v17;
	v10 =	vld [tilespmem:s21+$0xFFFFFFB0]  }
.Ltmp1:
0x16f: {  	v12 =	vadd.f32 v8, v12;
	v11 =	vadd.f32 v9, v11;
	v9 =	vld [tilespmem:s21+$0xFFFFFFC0];
	(pc) =	sbr.rel @p0 .LBB2_5-.Ltmp1, $4  }
0x170: {  	v15 =	vadd.f32 v20, v15;
	v14 =	vadd.f32 v14, v16;
	v8 =	vld [tilespmem:s21+$0xFFFFE6F0]  }
0x171: {  	v16 =	vadd.f32 v6, v12;
	v17 =	vadd.f32 v7, v11;
	v7 =	vld [tilespmem:s21+$0xFFFFE700]  }
0x172: {  	v12 =	vadd.f32 v18, v15;
	v11 =	vadd.f32 v13, v14;
	v6 =	vld [tilespmem:s21+$0xFFFFFFF0]  }
0x173: {  	v13 =	vadd.f32 v4, v16;
	v4 =	vadd.f32 v5, v17;
	v5 =	vld [tilespmem:s21+$0x0];
	s21 =	sadd.s32 $0x280, s21  }
0x174: {  	_ = 	snop  }
0x175: {  	v10 =	vadd.f32 v10, v12;
	v2 =	vadd.f32 v2, v13  }
0x176: {  	v9 =	vadd.f32 v9, v11;
	v3 =	vadd.f32 v3, v4  }
0x177: {  	v59 =	vadd.f32 v8, v10;
	v0 =	vadd.f32 v0, v2  }
0x178: {  	s18 =	sadd.s32 $0x1, s18;
	v60 =	vadd.f32 v7, v9;
	v1 =	vadd.f32 v1, v3  }
0x179: {  	s19 =	sshll.u32 s19, $0x6;
	p0 =	sne.s32 s18, $0x40;
	v61 =	vadd.f32 v6, v59;
	v0 =	vmul.f32 $4.999999890e-03, v0  }
.Ltmp2:
0x17a: {  	s19 =	sand.u32 $0x3FFFFFC0, s19;
	v2 =	vadd.f32 v5, v60;
	v1 =	vmul.f32 $4.999999890e-03, v1;
	(pc) =	sbr.rel @p0 .LBB2_2-.Ltmp2, $4  }
0x17b: {  	v62 =	vmul.f32 $4.999999890e-03, v61;
	[tilespmem:s19+$0xC800] =	vst v0  }
0x17c: {  	v63 =	vmul.f32 $4.999999890e-03, v2;
	[tilespmem:s19+$0xC810] =	vst v1  }
0x17d: {  	[tilespmem:s19+$0xC820] =	vst v62  }
0x17e: {  	[tilespmem:s19+$0xC830] =	vst v63  }
0x17f: {  	s17 =	sadd.s32 $0x1, s17  }
0x180: {  	p0 =	sne.s32 s17, s6  }
.Ltmp3:
0x181: {  	_ = 	snop;
	(pc) =	sbr.rel @p0 .LBB2_1-.Ltmp3, $4  }
0x182: {  	[hbm4b:s5+s2] =	stream.linear.scatter [tilespmem:s16], [sflag:$0x3], $0x2000, $0x38;
	[tilespmem:$0xE800] =	vst v63  }
0x183: {  	_ =	swait.ge [sflag:s7], $0x2000  }
0x184: {  	[sflag:s7] =	ssyncset.done $0x0  }
0x185: {  	[sflag:s7] =	ssyncadd.s32 $0xFFFFE000  }
0x186: {  	_ =	sfence.sel $0x180000  }
0x187: {  	[bflag:$0x0] =	sbarrier.arrive $0xFFFF  }
0x188: {  	p0 =	sne.s32 s0, $0x0;
	_ =	strace $0x90000047  }
0x189: {  	s0 =	sadd.s32 @!p0 $0x100000, s1;
	[bflag:$0x2] =	sbarrier.arrive $0xFFFF  }
0x18a: {  	[sflag:s0] =	ssyncadd.tile.s32 @!p0 $0x1;
	_ =	shalt  }
.Lfunc_end2:
_tile_overlayer_lowered:
.L_overlay_start_2:
0x18b: {  	(tag) =	ssettag $0x2  }
0x18c: {  	s0 =	rddreg [dreg:$0x0];
	s2 =	stileid.u32  }
0x18d: {  	s1 =	rddreg [dreg:$0x1];
	p0 =	sne.s32 s2, $0x0  }
0x18e: {  	s3 =	rddreg [dreg:$0x2];
	[bflag:$0x3] =	sbarrier.arrive $0xFFFF;
	s2 =	simm.s32 @!p0 $0x1C03  }
0x18f: {  	[timem:s3], [sflag:s2] =	dma.local @!p0 [hbm:s0], s1  }
0x190: {  	s0 =	simm.s32 @!p0 $0x3  }
0x191: {  	_ =	swait.ge @!p0 [sflag:s0], s1  }
0x192: {  	s1 =	ssub.s32 @!p0 $0x0, s1;
	[sflag:s0] =	ssyncset.done @!p0 $0x0  }
0x193: {  	[sflag:s0] =	ssyncadd.s32 @!p0 s1  }
0x194: {  	[bflag:$0x3] =	sbarrier.arrive $0xFFFF  }
0x195: {  	_ =	shalt  }

</sc_bundles>
